<compile_context>
chip_gen: v7x
topology: tpu7x:2x2x1
jax: 0.10.2.dev20260603
libtpu: 0.0.44.dev20260713+nightly
codegen_flags: <defaults>
</compile_context>

<pallas_src>
import functools

import jax
import jax.numpy as jnp
from jax import lax
from jax.experimental import pallas as pl
from jax.experimental.pallas import tpu as pltpu
from jax.experimental.pallas import tpu_sc as plsc

E = 8
TOPK = 2
D = 1024
DFF = 768
T = 2048
BT = 128
NPAD = TOPK * T + E * BT
NB = NPAD // BT
NC = 2
NS = 16
NW = NC * NS
TPW = T // NW


def _router_body(x_ref, gw_ref, logits_ref, s1_ref, s2_ref, w1_ref, w2_ref,
                 be_ref):
    x = x_ref[...]
    gw = gw_ref[...]
    logits = lax.dot_general(x, gw, (((1,), (1,)), ((), ())),
                             preferred_element_type=jnp.float32)
    logits_ref[...] = logits

    m = jnp.max(logits, axis=-1, keepdims=True)
    p = jnp.exp(logits - m)
    probs = p / jnp.sum(p, axis=-1, keepdims=True)
    ids = lax.broadcasted_iota(jnp.int32, (T, E), 1)
    m1 = jnp.max(probs, axis=-1, keepdims=True)
    i1 = jnp.min(jnp.where(probs == m1, ids, E), axis=-1, keepdims=True)
    probs2 = jnp.where(ids == i1, -1.0, probs)
    m2 = jnp.max(probs2, axis=-1, keepdims=True)
    i2 = jnp.min(jnp.where(probs2 == m2, ids, E), axis=-1, keepdims=True)
    denom = m1 + m2
    w1_ref[...] = m1 / denom
    w2_ref[...] = m2 / denom

    oh1 = (ids == i1).astype(jnp.float32)
    oh2 = (ids == i2).astype(jnp.float32)
    cnt = oh1 + oh2

    G = 16
    GSZ = T // G
    ig = lax.broadcasted_iota(jnp.int32, (GSZ, GSZ), 0)
    jg = lax.broadcasted_iota(jnp.int32, (GSZ, GSZ), 1)
    tri = (jg < ig).astype(jnp.bfloat16)
    parts = []
    gtots = []
    for g in range(G):
        sub = cnt[g * GSZ:(g + 1) * GSZ, :]
        parts.append(lax.dot_general(
            tri, sub.astype(jnp.bfloat16), (((1,), (0,)), ((), ())),
            preferred_element_type=jnp.float32))
        gtots.append(jnp.sum(sub, axis=0, keepdims=True))
    gt = jnp.concatenate(gtots, axis=0)
    i16 = lax.broadcasted_iota(jnp.int32, (G, G), 0)
    j16 = lax.broadcasted_iota(jnp.int32, (G, G), 1)
    tri16 = (j16 < i16).astype(jnp.float32)
    gpre = lax.dot_general(tri16, gt, (((1,), (0,)), ((), ())),
                           preferred_element_type=jnp.float32)
    P = jnp.concatenate(
        [parts[g] + gpre[g:g + 1, :] for g in range(G)], axis=0)
    tot = gpre[G - 1:G, :] + gt[G - 1:G, :]

    pcq = jnp.floor((tot + (BT - 1)) / BT)
    a8 = lax.broadcasted_iota(jnp.int32, (E, E), 0)
    b8 = lax.broadcasted_iota(jnp.int32, (E, E), 1)
    pcqb = jnp.broadcast_to(pcq, (E, E))
    padq_col = jnp.sum(jnp.where(b8 < a8, pcqb, 0.0), axis=1,
                       keepdims=True)
    incl_col = jnp.sum(jnp.where(b8 <= a8, pcqb, 0.0), axis=1,
                       keepdims=True)
    pad_off_col = padq_col * BT

    po1 = lax.dot_general(oh1, pad_off_col, (((1,), (0,)), ((), ())),
                          preferred_element_type=jnp.float32)
    po2 = lax.dot_general(oh2, pad_off_col, (((1,), (0,)), ((), ())),
                          preferred_element_type=jnp.float32)
    r1 = jnp.sum(oh1 * P, axis=-1, keepdims=True)
    r2 = jnp.sum(oh2 * P, axis=-1, keepdims=True)
    s1_ref[...] = (po1 + r1).astype(jnp.int32)
    s2_ref[...] = (po2 + r2).astype(jnp.int32)

    bb = lax.broadcasted_iota(jnp.int32, (E, NB + 8), 1).astype(jnp.float32)
    cmp = (bb >= incl_col).astype(jnp.int32)
    be = jnp.minimum(jnp.sum(cmp, axis=0, keepdims=True), E - 1)
    col = lax.broadcasted_iota(jnp.int32, (1, NB + 8), 1)
    used = jnp.sum(pcq, axis=1, keepdims=True).astype(jnp.int32)
    be_ref[...] = jnp.where(col == NB, used, be)


def _router(x, gate_w):
    return pl.pallas_call(
        _router_body,
        out_shape=(
            jax.ShapeDtypeStruct((T, E), jnp.float32),
            jax.ShapeDtypeStruct((T, 1), jnp.int32),
            jax.ShapeDtypeStruct((T, 1), jnp.int32),
            jax.ShapeDtypeStruct((T, 1), jnp.float32),
            jax.ShapeDtypeStruct((T, 1), jnp.float32),
            jax.ShapeDtypeStruct((1, NB + 8), jnp.int32),
        ),
    )(x, gate_w)


def _dispatch_body(x_hbm, s1_hbm, s2_hbm, xs_hbm, s1_v, s2_v, rows_v, sem):
    wid = lax.axis_index("s") * NC + lax.axis_index("c")
    base = wid * TPW
    pltpu.sync_copy(s1_hbm.at[pl.ds(base, TPW)], s1_v)
    pltpu.sync_copy(s2_hbm.at[pl.ds(base, TPW)], s2_v)
    pltpu.sync_copy(x_hbm.at[pl.ds(base, TPW), :], rows_v)
    c1 = pltpu.async_copy(rows_v, xs_hbm.at[s1_v], sem)
    c2 = pltpu.async_copy(rows_v, xs_hbm.at[s2_v], sem)
    c1.wait()
    c2.wait()


def _dispatch(x, s1, s2):
    return pl.kernel(
        _dispatch_body,
        out_type=jax.ShapeDtypeStruct((NPAD, D), jnp.float32),
        mesh=plsc.VectorSubcoreMesh(core_axis_name="c", subcore_axis_name="s"),
        scratch_types=[
            pltpu.VMEM((TPW,), jnp.int32),
            pltpu.VMEM((TPW,), jnp.int32),
            pltpu.VMEM((TPW, D), jnp.float32),
            pltpu.SemaphoreType.DMA,
        ],
    )(x, s1, s2)


def _gmm_body(be_ref, xs_ref, w13_ref, w2_ref, out_ref):
    b = pl.program_id(0)

    @pl.when(b < be_ref[NB])
    def _():
        xb = xs_ref[...].astype(jnp.bfloat16)
        h = lax.dot_general(xb, w13_ref[0].astype(jnp.bfloat16),
                            (((1,), (1,)), ((), ())),
                            preferred_element_type=jnp.float32)
        g = h[:, :DFF]
        u = h[:, DFF:]
        a = (g / (1.0 + jnp.exp(-g))) * u
        y = lax.dot_general(a.astype(jnp.bfloat16),
                            w2_ref[0].astype(jnp.bfloat16),
                            (((1,), (1,)), ((), ())),
                            preferred_element_type=jnp.float32)
        out_ref[...] = y


def _gmm(be, xs, w13, w2):
    grid_spec = pltpu.PrefetchScalarGridSpec(
        num_scalar_prefetch=1,
        grid=(NB,),
        in_specs=[
            pl.BlockSpec((BT, D), lambda b, be: (b, 0)),
            pl.BlockSpec((1, 2 * DFF, D), lambda b, be: (be[b], 0, 0)),
            pl.BlockSpec((1, D, DFF), lambda b, be: (be[b], 0, 0)),
        ],
        out_specs=pl.BlockSpec((BT, D), lambda b, be: (b, 0)),
    )
    return pl.pallas_call(
        _gmm_body,
        grid_spec=grid_spec,
        out_shape=jax.ShapeDtypeStruct((NPAD, D), jnp.float32),
    )(be, xs, w13, w2)


def _combine_body(ysw_hbm, s1_hbm, s2_hbm, yall_hbm, sv, buf, sem):
    wid = lax.axis_index("s") * NC + lax.axis_index("c")
    base = wid * TPW
    pltpu.sync_copy(s1_hbm.at[pl.ds(base, TPW)], sv)
    pltpu.async_copy(ysw_hbm.at[sv], buf, sem).wait()
    pltpu.sync_copy(buf, yall_hbm.at[pl.ds(base, TPW), :])
    pltpu.sync_copy(s2_hbm.at[pl.ds(base, TPW)], sv)
    pltpu.async_copy(ysw_hbm.at[sv], buf, sem).wait()
    pltpu.sync_copy(buf, yall_hbm.at[pl.ds(T + base, TPW), :])


def _combine(ysw, s1, s2):
    return pl.kernel(
        _combine_body,
        out_type=jax.ShapeDtypeStruct((2 * T, D), jnp.float32),
        mesh=plsc.VectorSubcoreMesh(core_axis_name="c", subcore_axis_name="s"),
        scratch_types=[
            pltpu.VMEM((TPW,), jnp.int32),
            pltpu.VMEM((TPW, D), jnp.float32),
            pltpu.SemaphoreType.DMA,
        ],
    )(ysw, s1, s2)


def _add_body(y1_ref, y2_ref, w1_ref, w2_ref, o_ref):
    o_ref[...] = y1_ref[...] * w1_ref[...] + y2_ref[...] * w2_ref[...]


def _wadd(yall, w1, w2):
    nb = T // BT
    return pl.pallas_call(
        _add_body,
        grid=(nb,),
        in_specs=[
            pl.BlockSpec((BT, D), lambda b: (b, 0)),
            pl.BlockSpec((BT, D), lambda b: (b + nb, 0)),
            pl.BlockSpec((BT, 1), lambda b: (b, 0)),
            pl.BlockSpec((BT, 1), lambda b: (b, 0)),
        ],
        out_specs=pl.BlockSpec((BT, D), lambda b: (b, 0)),
        out_shape=jax.ShapeDtypeStruct((T, D), jnp.float32),
    )(yall, yall, w1, w2)


@jax.jit
def kernel(hidden_states, gate_w, w13, w2):
    x = hidden_states.reshape(T, D)
    logits, s1, s2, w1, w2g, be = _router(x, gate_w)
    s1 = s1.reshape(T)
    s2 = s2.reshape(T)
    xs = _dispatch(x, s1, s2)
    ysw = _gmm(be.reshape(NB + 8), xs, w13, w2)
    yall = _combine(ysw, s1, s2)
    out = _wadd(yall, w1, w2g)
    return out, logits

# --- scband reference (transcript-rebuilt; emitter-appended) ---
"""Pipeline reference for scband-qwen3-moe-sparse-moe-block-89833535963571 (READ-ONLY COPY).

The authoritative reference and input builder live on the scoring server;
editing this copy changes nothing except your own understanding.
"""

import jax, jax.numpy as jnp
import numpy as np

E = 8
TOPK = 2
D = 1024
DFF = 768
B = 1
S = 2048


def setup_inputs(seed: int = 0) -> dict:
    key = jax.random.key(seed)
    k1, k2, k3, k4 = jax.random.split(key, 4)
    hidden_states = jax.random.normal(k1, (B, S, D), dtype=jnp.float32)
    gate_w = jax.random.normal(k2, (E, D), dtype=jnp.float32) * 0.02
    # w13[e] = concat([gate_proj.weight, up_proj.weight], dim=0) -> [2*DFF, D]
    w13 = jax.random.normal(k3, (E, 2 * DFF, D), dtype=jnp.float32) * 0.02
    # w2[e] = down_proj.weight -> [D, DFF]
    w2 = jax.random.normal(k4, (E, D, DFF), dtype=jnp.float32) * 0.02
    return {"hidden_states": hidden_states, "gate_w": gate_w, "w13": w13, "w2": w2}


def _moe(x, gate_w, w13, w2):
    # x: [T, D]
    T = x.shape[0]
    router_logits = x @ gate_w.T  # [T, E]
    routing_weights = jax.nn.softmax(router_logits.astype(jnp.float32), axis=-1)
    topk_w, topk_ids = jax.lax.top_k(routing_weights, TOPK)  # [T, K]
    # norm_topk_prob=True
    topk_w = topk_w / jnp.sum(topk_w, axis=-1, keepdims=True)
    topk_w = topk_w.astype(x.dtype)
    # dense combine coefficients via scatter-add (SparseCore-friendly)
    coef = jnp.zeros((T, E), dtype=x.dtype).at[jnp.arange(T)[:, None], topk_ids].add(topk_w)
    out = jnp.zeros((T, D), dtype=x.dtype)
    for e in range(E):
        h = x @ w13[e].T  # [T, 2*DFF]
        g = h[:, :DFF]
        u = h[:, DFF:]
        a = jax.nn.silu(g) * u
        y = a @ w2[e].T  # [T, D]
        out = out + coef[:, e:e + 1] * y
    return out, router_logits


def reference(hidden_states, gate_w, w13, w2):
    x = hidden_states.reshape(-1, D)
    final_hidden_states, router_logits = _moe(x, gate_w, w13, w2)
    return final_hidden_states, router_logits

if __name__ == "__main__":
    import jax
    _d = setup_inputs()
    print(jax.jit(kernel)(*tuple(_d.values())))

</pallas_src>

<mosaic_0001>
#map = affine_map<(d0, d1) -> (0, 0)>
#map1 = affine_map<(d0, d1) -> (0)>
module attributes {stable_mosaic.version = 14 : i64} {
  func.func @_combine_body(%arg0: i32, %arg1: i32, %arg2: memref<5120x1024xf32, #tpu.memory_space<hbm>>, %arg3: memref<2048xi32, #tpu.memory_space<hbm>>, %arg4: memref<2048xi32, #tpu.memory_space<hbm>>, %arg5: memref<4096x1024xf32, #tpu.memory_space<hbm>>, %arg6: memref<64xi32, #tpu.memory_space<vmem>>, %arg7: memref<64x1024xf32, #tpu.memory_space<vmem>>, %arg8: memref<!tpu.dma_semaphore, #tpu.memory_space<semaphore_mem>>) attributes {dimension_semantics = [#tpu.dimension_semantics<core_parallel>, #tpu.dimension_semantics<subcore_parallel>], iteration_bounds = array<i64: 2, 16>, scalar_prefetch = 0 : i64, scratch_operands = 3 : i64, tpu.core_type = #tpu.core_type<sc_vector_subcore>, window_params = [{transform_indices = #map}, {transform_indices = #map1}, {transform_indices = #map1}, {transform_indices = #map}]} {
    %mul3A = arith.constant 2 : i32
    %mul3A_0 = arith.muli %arg1, %mul3A : i32
    %add3A = arith.addi %mul3A_0, %arg0 : i32
    %mul3A_1 = arith.constant 64 : i32
    %mul3A_2 = arith.muli %add3A, %mul3A_1 : i32
    "tpu.region"() ({
      %run_scoped3A = tpu.sem_alloc : memref<!tpu.dma_semaphore, #tpu.memory_space<semaphore_mem>>
      %dma_start3A_15 = tpu.memref_slice %arg3[%mul3A_2] : memref<2048xi32, #tpu.memory_space<hbm>> -> memref<64xi32, #tpu.memory_space<hbm>>
      %dma_start3A_16 = tpu.memref_slice %arg3[%mul3A_2] : memref<2048xi32, #tpu.memory_space<hbm>> -> memref<64xi32, #tpu.memory_space<hbm>>
      tpu.enqueue_dma source(%dma_start3A_16 : memref<64xi32, #tpu.memory_space<hbm>>) target(%arg6 : memref<64xi32, #tpu.memory_space<vmem>>) target_semaphore(%run_scoped3A : memref<!tpu.dma_semaphore, #tpu.memory_space<semaphore_mem>>)
      %dma_wait3A_17 = tpu.memref_slice %arg3[%mul3A_2] : memref<2048xi32, #tpu.memory_space<hbm>> -> memref<64xi32, #tpu.memory_space<hbm>>
      %dma_wait3A_18 = tpu.memref_slice %arg3[%mul3A_2] : memref<2048xi32, #tpu.memory_space<hbm>> -> memref<64xi32, #tpu.memory_space<hbm>>
      tpu.wait_dma2 semaphore(%run_scoped3A : memref<!tpu.dma_semaphore, #tpu.memory_space<semaphore_mem>>) src(%dma_wait3A_18 : memref<64xi32, #tpu.memory_space<hbm>>) dst(%arg6 : memref<64xi32, #tpu.memory_space<vmem>>)
      tpu.yield
    }) : () -> ()
    %dma_start3A = arith.constant 0 : i32
    %dma_start3A_3 = arith.constant 0 : i32
    %dma_start3A_4 = tpu.memref_slice %arg2[%dma_start3A, %dma_start3A_3] : memref<5120x1024xf32, #tpu.memory_space<hbm>> -> memref<5120x1024xf32, #tpu.memory_space<hbm>>
    tpu.enqueue_indirect_dma source(%dma_start3A_4 : memref<5120x1024xf32, #tpu.memory_space<hbm>>) target(%arg7 : memref<64x1024xf32, #tpu.memory_space<vmem>>) offsets(%arg6 : memref<64xi32, #tpu.memory_space<vmem>>) semaphore(%arg8 : memref<!tpu.dma_semaphore, #tpu.memory_space<semaphore_mem>>)
    %dma_wait3A = arith.constant 0 : i32
    %dma_wait3A_5 = arith.constant 0 : i32
    %dma_wait3A_6 = tpu.memref_slice %arg2[%dma_wait3A, %dma_wait3A_5] : memref<5120x1024xf32, #tpu.memory_space<hbm>> -> memref<5120x1024xf32, #tpu.memory_space<hbm>>
    tpu.wait_indirect_dma semaphore(%arg8 : memref<!tpu.dma_semaphore, #tpu.memory_space<semaphore_mem>>) src(%dma_wait3A_6 : memref<5120x1024xf32, #tpu.memory_space<hbm>>) dst(%arg7 : memref<64x1024xf32, #tpu.memory_space<vmem>>)
    "tpu.region"() ({
      %run_scoped3A = tpu.sem_alloc : memref<!tpu.dma_semaphore, #tpu.memory_space<semaphore_mem>>
      %dma_start3A_15 = arith.constant 0 : i32
      %dma_start3A_16 = tpu.memref_slice %arg5[%mul3A_2, %dma_start3A_15] : memref<4096x1024xf32, #tpu.memory_space<hbm>> -> memref<64x1024xf32, #tpu.memory_space<hbm>>
      %dma_start3A_17 = arith.constant 0 : i32
      %dma_start3A_18 = tpu.memref_slice %arg5[%mul3A_2, %dma_start3A_17] : memref<4096x1024xf32, #tpu.memory_space<hbm>> -> memref<64x1024xf32, #tpu.memory_space<hbm>>
      tpu.enqueue_dma source(%arg7 : memref<64x1024xf32, #tpu.memory_space<vmem>>) target(%dma_start3A_18 : memref<64x1024xf32, #tpu.memory_space<hbm>>) target_semaphore(%run_scoped3A : memref<!tpu.dma_semaphore, #tpu.memory_space<semaphore_mem>>)
      %dma_wait3A_19 = arith.constant 0 : i32
      %dma_wait3A_20 = tpu.memref_slice %arg5[%mul3A_2, %dma_wait3A_19] : memref<4096x1024xf32, #tpu.memory_space<hbm>> -> memref<64x1024xf32, #tpu.memory_space<hbm>>
      %dma_wait3A_21 = arith.constant 0 : i32
      %dma_wait3A_22 = tpu.memref_slice %arg5[%mul3A_2, %dma_wait3A_21] : memref<4096x1024xf32, #tpu.memory_space<hbm>> -> memref<64x1024xf32, #tpu.memory_space<hbm>>
      tpu.wait_dma2 semaphore(%run_scoped3A : memref<!tpu.dma_semaphore, #tpu.memory_space<semaphore_mem>>) src(%arg7 : memref<64x1024xf32, #tpu.memory_space<vmem>>) dst(%dma_wait3A_22 : memref<64x1024xf32, #tpu.memory_space<hbm>>)
      tpu.yield
    }) : () -> ()
    "tpu.region"() ({
      %run_scoped3A = tpu.sem_alloc : memref<!tpu.dma_semaphore, #tpu.memory_space<semaphore_mem>>
      %dma_start3A_15 = tpu.memref_slice %arg4[%mul3A_2] : memref<2048xi32, #tpu.memory_space<hbm>> -> memref<64xi32, #tpu.memory_space<hbm>>
      %dma_start3A_16 = tpu.memref_slice %arg4[%mul3A_2] : memref<2048xi32, #tpu.memory_space<hbm>> -> memref<64xi32, #tpu.memory_space<hbm>>
      tpu.enqueue_dma source(%dma_start3A_16 : memref<64xi32, #tpu.memory_space<hbm>>) target(%arg6 : memref<64xi32, #tpu.memory_space<vmem>>) target_semaphore(%run_scoped3A : memref<!tpu.dma_semaphore, #tpu.memory_space<semaphore_mem>>)
      %dma_wait3A_17 = tpu.memref_slice %arg4[%mul3A_2] : memref<2048xi32, #tpu.memory_space<hbm>> -> memref<64xi32, #tpu.memory_space<hbm>>
      %dma_wait3A_18 = tpu.memref_slice %arg4[%mul3A_2] : memref<2048xi32, #tpu.memory_space<hbm>> -> memref<64xi32, #tpu.memory_space<hbm>>
      tpu.wait_dma2 semaphore(%run_scoped3A : memref<!tpu.dma_semaphore, #tpu.memory_space<semaphore_mem>>) src(%dma_wait3A_18 : memref<64xi32, #tpu.memory_space<hbm>>) dst(%arg6 : memref<64xi32, #tpu.memory_space<vmem>>)
      tpu.yield
    }) : () -> ()
    %dma_start3A_7 = arith.constant 0 : i32
    %dma_start3A_8 = arith.constant 0 : i32
    %dma_start3A_9 = tpu.memref_slice %arg2[%dma_start3A_7, %dma_start3A_8] : memref<5120x1024xf32, #tpu.memory_space<hbm>> -> memref<5120x1024xf32, #tpu.memory_space<hbm>>
    tpu.enqueue_indirect_dma source(%dma_start3A_9 : memref<5120x1024xf32, #tpu.memory_space<hbm>>) target(%arg7 : memref<64x1024xf32, #tpu.memory_space<vmem>>) offsets(%arg6 : memref<64xi32, #tpu.memory_space<vmem>>) semaphore(%arg8 : memref<!tpu.dma_semaphore, #tpu.memory_space<semaphore_mem>>)
    %dma_wait3A_10 = arith.constant 0 : i32
    %dma_wait3A_11 = arith.constant 0 : i32
    %dma_wait3A_12 = tpu.memref_slice %arg2[%dma_wait3A_10, %dma_wait3A_11] : memref<5120x1024xf32, #tpu.memory_space<hbm>> -> memref<5120x1024xf32, #tpu.memory_space<hbm>>
    tpu.wait_indirect_dma semaphore(%arg8 : memref<!tpu.dma_semaphore, #tpu.memory_space<semaphore_mem>>) src(%dma_wait3A_12 : memref<5120x1024xf32, #tpu.memory_space<hbm>>) dst(%arg7 : memref<64x1024xf32, #tpu.memory_space<vmem>>)
    %add3A_13 = arith.constant 2048 : i32
    %add3A_14 = arith.addi %add3A_13, %mul3A_2 : i32
    "tpu.region"() ({
      %run_scoped3A = tpu.sem_alloc : memref<!tpu.dma_semaphore, #tpu.memory_space<semaphore_mem>>
      %dma_start3A_15 = arith.constant 0 : i32
      %dma_start3A_16 = tpu.memref_slice %arg5[%add3A_14, %dma_start3A_15] : memref<4096x1024xf32, #tpu.memory_space<hbm>> -> memref<64x1024xf32, #tpu.memory_space<hbm>>
      %dma_start3A_17 = arith.constant 0 : i32
      %dma_start3A_18 = tpu.memref_slice %arg5[%add3A_14, %dma_start3A_17] : memref<4096x1024xf32, #tpu.memory_space<hbm>> -> memref<64x1024xf32, #tpu.memory_space<hbm>>
      tpu.enqueue_dma source(%arg7 : memref<64x1024xf32, #tpu.memory_space<vmem>>) target(%dma_start3A_18 : memref<64x1024xf32, #tpu.memory_space<hbm>>) target_semaphore(%run_scoped3A : memref<!tpu.dma_semaphore, #tpu.memory_space<semaphore_mem>>)
      %dma_wait3A_19 = arith.constant 0 : i32
      %dma_wait3A_20 = tpu.memref_slice %arg5[%add3A_14, %dma_wait3A_19] : memref<4096x1024xf32, #tpu.memory_space<hbm>> -> memref<64x1024xf32, #tpu.memory_space<hbm>>
      %dma_wait3A_21 = arith.constant 0 : i32
      %dma_wait3A_22 = tpu.memref_slice %arg5[%add3A_14, %dma_wait3A_21] : memref<4096x1024xf32, #tpu.memory_space<hbm>> -> memref<64x1024xf32, #tpu.memory_space<hbm>>
      tpu.wait_dma2 semaphore(%run_scoped3A : memref<!tpu.dma_semaphore, #tpu.memory_space<semaphore_mem>>) src(%arg7 : memref<64x1024xf32, #tpu.memory_space<vmem>>) dst(%dma_wait3A_22 : memref<64x1024xf32, #tpu.memory_space<hbm>>)
      tpu.yield
    }) : () -> ()
    return
  }
}

#map = affine_map<(d0, d1) -> (0, 0)>
#map1 = affine_map<(d0, d1) -> (0)>
module attributes {stable_mosaic.version = 14 : i64} {
  func.func @_dispatch_body(%arg0: i32, %arg1: i32, %arg2: memref<2048x1024xf32, #tpu.memory_space<hbm>>, %arg3: memref<2048xi32, #tpu.memory_space<hbm>>, %arg4: memref<2048xi32, #tpu.memory_space<hbm>>, %arg5: memref<5120x1024xf32, #tpu.memory_space<hbm>>, %arg6: memref<64xi32, #tpu.memory_space<vmem>>, %arg7: memref<64xi32, #tpu.memory_space<vmem>>, %arg8: memref<64x1024xf32, #tpu.memory_space<vmem>>, %arg9: memref<!tpu.dma_semaphore, #tpu.memory_space<semaphore_mem>>) attributes {dimension_semantics = [#tpu.dimension_semantics<core_parallel>, #tpu.dimension_semantics<subcore_parallel>], iteration_bounds = array<i64: 2, 16>, scalar_prefetch = 0 : i64, scratch_operands = 4 : i64, tpu.core_type = #tpu.core_type<sc_vector_subcore>, window_params = [{transform_indices = #map}, {transform_indices = #map1}, {transform_indices = #map1}, {transform_indices = #map}]} {
    %mul3A = arith.constant 2 : i32
    %mul3A_0 = arith.muli %arg1, %mul3A : i32
    %add3A = arith.addi %mul3A_0, %arg0 : i32
    %mul3A_1 = arith.constant 64 : i32
    %mul3A_2 = arith.muli %add3A, %mul3A_1 : i32
    "tpu.region"() ({
      %run_scoped3A = tpu.sem_alloc : memref<!tpu.dma_semaphore, #tpu.memory_space<semaphore_mem>>
      %dma_start3A_13 = tpu.memref_slice %arg3[%mul3A_2] : memref<2048xi32, #tpu.memory_space<hbm>> -> memref<64xi32, #tpu.memory_space<hbm>>
      %dma_start3A_14 = tpu.memref_slice %arg3[%mul3A_2] : memref<2048xi32, #tpu.memory_space<hbm>> -> memref<64xi32, #tpu.memory_space<hbm>>
      tpu.enqueue_dma source(%dma_start3A_14 : memref<64xi32, #tpu.memory_space<hbm>>) target(%arg6 : memref<64xi32, #tpu.memory_space<vmem>>) target_semaphore(%run_scoped3A : memref<!tpu.dma_semaphore, #tpu.memory_space<semaphore_mem>>)
      %dma_wait3A_15 = tpu.memref_slice %arg3[%mul3A_2] : memref<2048xi32, #tpu.memory_space<hbm>> -> memref<64xi32, #tpu.memory_space<hbm>>
      %dma_wait3A_16 = tpu.memref_slice %arg3[%mul3A_2] : memref<2048xi32, #tpu.memory_space<hbm>> -> memref<64xi32, #tpu.memory_space<hbm>>
      tpu.wait_dma2 semaphore(%run_scoped3A : memref<!tpu.dma_semaphore, #tpu.memory_space<semaphore_mem>>) src(%dma_wait3A_16 : memref<64xi32, #tpu.memory_space<hbm>>) dst(%arg6 : memref<64xi32, #tpu.memory_space<vmem>>)
      tpu.yield
    }) : () -> ()
    "tpu.region"() ({
      %run_scoped3A = tpu.sem_alloc : memref<!tpu.dma_semaphore, #tpu.memory_space<semaphore_mem>>
      %dma_start3A_13 = tpu.memref_slice %arg4[%mul3A_2] : memref<2048xi32, #tpu.memory_space<hbm>> -> memref<64xi32, #tpu.memory_space<hbm>>
      %dma_start3A_14 = tpu.memref_slice %arg4[%mul3A_2] : memref<2048xi32, #tpu.memory_space<hbm>> -> memref<64xi32, #tpu.memory_space<hbm>>
      tpu.enqueue_dma source(%dma_start3A_14 : memref<64xi32, #tpu.memory_space<hbm>>) target(%arg7 : memref<64xi32, #tpu.memory_space<vmem>>) target_semaphore(%run_scoped3A : memref<!tpu.dma_semaphore, #tpu.memory_space<semaphore_mem>>)
      %dma_wait3A_15 = tpu.memref_slice %arg4[%mul3A_2] : memref<2048xi32, #tpu.memory_space<hbm>> -> memref<64xi32, #tpu.memory_space<hbm>>
      %dma_wait3A_16 = tpu.memref_slice %arg4[%mul3A_2] : memref<2048xi32, #tpu.memory_space<hbm>> -> memref<64xi32, #tpu.memory_space<hbm>>
      tpu.wait_dma2 semaphore(%run_scoped3A : memref<!tpu.dma_semaphore, #tpu.memory_space<semaphore_mem>>) src(%dma_wait3A_16 : memref<64xi32, #tpu.memory_space<hbm>>) dst(%arg7 : memref<64xi32, #tpu.memory_space<vmem>>)
      tpu.yield
    }) : () -> ()
    "tpu.region"() ({
      %run_scoped3A = tpu.sem_alloc : memref<!tpu.dma_semaphore, #tpu.memory_space<semaphore_mem>>
      %dma_start3A_13 = arith.constant 0 : i32
      %dma_start3A_14 = tpu.memref_slice %arg2[%mul3A_2, %dma_start3A_13] : memref<2048x1024xf32, #tpu.memory_space<hbm>> -> memref<64x1024xf32, #tpu.memory_space<hbm>>
      %dma_start3A_15 = arith.constant 0 : i32
      %dma_start3A_16 = tpu.memref_slice %arg2[%mul3A_2, %dma_start3A_15] : memref<2048x1024xf32, #tpu.memory_space<hbm>> -> memref<64x1024xf32, #tpu.memory_space<hbm>>
      tpu.enqueue_dma source(%dma_start3A_16 : memref<64x1024xf32, #tpu.memory_space<hbm>>) target(%arg8 : memref<64x1024xf32, #tpu.memory_space<vmem>>) target_semaphore(%run_scoped3A : memref<!tpu.dma_semaphore, #tpu.memory_space<semaphore_mem>>)
      %dma_wait3A_17 = arith.constant 0 : i32
      %dma_wait3A_18 = tpu.memref_slice %arg2[%mul3A_2, %dma_wait3A_17] : memref<2048x1024xf32, #tpu.memory_space<hbm>> -> memref<64x1024xf32, #tpu.memory_space<hbm>>
      %dma_wait3A_19 = arith.constant 0 : i32
      %dma_wait3A_20 = tpu.memref_slice %arg2[%mul3A_2, %dma_wait3A_19] : memref<2048x1024xf32, #tpu.memory_space<hbm>> -> memref<64x1024xf32, #tpu.memory_space<hbm>>
      tpu.wait_dma2 semaphore(%run_scoped3A : memref<!tpu.dma_semaphore, #tpu.memory_space<semaphore_mem>>) src(%dma_wait3A_20 : memref<64x1024xf32, #tpu.memory_space<hbm>>) dst(%arg8 : memref<64x1024xf32, #tpu.memory_space<vmem>>)
      tpu.yield
    }) : () -> ()
    %dma_start3A = arith.constant 0 : i32
    %dma_start3A_3 = arith.constant 0 : i32
    %dma_start3A_4 = tpu.memref_slice %arg5[%dma_start3A, %dma_start3A_3] : memref<5120x1024xf32, #tpu.memory_space<hbm>> -> memref<5120x1024xf32, #tpu.memory_space<hbm>>
    tpu.enqueue_indirect_dma source(%arg8 : memref<64x1024xf32, #tpu.memory_space<vmem>>) target(%dma_start3A_4 : memref<5120x1024xf32, #tpu.memory_space<hbm>>) offsets(%arg6 : memref<64xi32, #tpu.memory_space<vmem>>) semaphore(%arg9 : memref<!tpu.dma_semaphore, #tpu.memory_space<semaphore_mem>>)
    %dma_start3A_5 = arith.constant 0 : i32
    %dma_start3A_6 = arith.constant 0 : i32
    %dma_start3A_7 = tpu.memref_slice %arg5[%dma_start3A_5, %dma_start3A_6] : memref<5120x1024xf32, #tpu.memory_space<hbm>> -> memref<5120x1024xf32, #tpu.memory_space<hbm>>
    tpu.enqueue_indirect_dma source(%arg8 : memref<64x1024xf32, #tpu.memory_space<vmem>>) target(%dma_start3A_7 : memref<5120x1024xf32, #tpu.memory_space<hbm>>) offsets(%arg7 : memref<64xi32, #tpu.memory_space<vmem>>) semaphore(%arg9 : memref<!tpu.dma_semaphore, #tpu.memory_space<semaphore_mem>>)
    %dma_wait3A = arith.constant 0 : i32
    %dma_wait3A_8 = arith.constant 0 : i32
    %dma_wait3A_9 = tpu.memref_slice %arg5[%dma_wait3A, %dma_wait3A_8] : memref<5120x1024xf32, #tpu.memory_space<hbm>> -> memref<5120x1024xf32, #tpu.memory_space<hbm>>
    tpu.wait_indirect_dma semaphore(%arg9 : memref<!tpu.dma_semaphore, #tpu.memory_space<semaphore_mem>>) src(%arg8 : memref<64x1024xf32, #tpu.memory_space<vmem>>) dst(%dma_wait3A_9 : memref<5120x1024xf32, #tpu.memory_space<hbm>>)
    %dma_wait3A_10 = arith.constant 0 : i32
    %dma_wait3A_11 = arith.constant 0 : i32
    %dma_wait3A_12 = tpu.memref_slice %arg5[%dma_wait3A_10, %dma_wait3A_11] : memref<5120x1024xf32, #tpu.memory_space<hbm>> -> memref<5120x1024xf32, #tpu.memory_space<hbm>>
    tpu.wait_indirect_dma semaphore(%arg9 : memref<!tpu.dma_semaphore, #tpu.memory_space<semaphore_mem>>) src(%arg8 : memref<64x1024xf32, #tpu.memory_space<vmem>>) dst(%dma_wait3A_12 : memref<5120x1024xf32, #tpu.memory_space<hbm>>)
    return
  }
}

module attributes {stable_mosaic.version = 14 : i64} {
  func.func @_gmm_body(%arg0: i32, %arg1: memref<48xi32, #tpu.memory_space<smem>>, %arg2: memref<128x1024xf32, #tpu.memory_space<vmem>>, %arg3: memref<1x1536x1024xf32, #tpu.memory_space<vmem>>, %arg4: memref<1x1024x768xf32, #tpu.memory_space<vmem>>, %arg5: memref<128x1024xf32, #tpu.memory_space<vmem>>) attributes {dimension_semantics = [#tpu.dimension_semantics<arbitrary>], iteration_bounds = array<i64: 40>, scalar_prefetch = 1 : i64, scratch_operands = 0 : i64, tpu.core_type = #tpu.core_type<tc>, window_params = [{transform_indices = @transform_0, window_bounds = array<i64: 128, 1024>}, {transform_indices = @transform_1, window_bounds = array<i64: 1, 1536, 1024>}, {transform_indices = @transform_2, window_bounds = array<i64: 1, 1024, 768>}, {transform_indices = @transform_3, window_bounds = array<i64: 128, 1024>}]} {
    %get3A = arith.constant 40 : index
    %get3A_0 = memref.load %arg1[%get3A] : memref<48xi32, #tpu.memory_space<smem>>
    %lt3A = arith.cmpi slt, %arg0, %get3A_0 : i32
    %convert_element_type3A = arith.extui %lt3A : i1 to i32
    %cond3A = arith.constant 0 : i32
    %cond3A_1 = arith.cmpi ne, %convert_element_type3A, %cond3A : i32
    scf.if %cond3A_1 {
      %get3A_2 = arith.constant 0 : index
      %get3A_3 = arith.constant 0 : index
      %get3A_4 = vector.load %arg2[%get3A_2, %get3A_3] : memref<128x1024xf32, #tpu.memory_space<vmem>>, vector<128x1024xf32>
      %convert_element_type3A_5 = arith.truncf %get3A_4 : vector<128x1024xf32> to vector<128x1024xbf16>
      %get3A_6 = arith.constant 0 : index
      %get3A_7 = arith.constant 0 : index
      %get3A_8 = arith.constant 0 : index
      %get3A_9 = vector.load %arg3[%get3A_6, %get3A_7, %get3A_8] : memref<1x1536x1024xf32, #tpu.memory_space<vmem>>, vector<1x1536x1024xf32>
      %get3A_10 = vector.shape_cast %get3A_9 : vector<1x1536x1024xf32> to vector<1536x1024xf32>
      %convert_element_type3A_11 = arith.truncf %get3A_10 : vector<1536x1024xf32> to vector<1536x1024xbf16>
      %dot_general3A = arith.constant dense<0.000000e+00> : vector<128x1536xf32>
      %dot_general3A_12 = tpu.matmul %convert_element_type3A_5, %convert_element_type3A_11, %dot_general3A {dimension_numbers = #tpu.dot_dimension_numbers<[1], [1], [0], [0], [0, 0, 1, 0], [], []>, transpose_lhs_hint = false} : vector<128x1024xbf16>, vector<1536x1024xbf16>, vector<128x1536xf32> -> vector<128x1536xf32>
      %slice3A = vector.extract_strided_slice %dot_general3A_12 {offsets = [0, 0], sizes = [128, 768], strides = [1, 1]} : vector<128x1536xf32> to vector<128x768xf32>
      %slice3A_13 = vector.extract_strided_slice %dot_general3A_12 {offsets = [0, 768], sizes = [128, 768], strides = [1, 1]} : vector<128x1536xf32> to vector<128x768xf32>
      %neg3A = arith.constant 0.000000e+00 : f32
      %neg3A_14 = vector.broadcast %neg3A : f32 to vector<128x768xf32>
      %neg3A_15 = arith.subf %neg3A_14, %slice3A : vector<128x768xf32>
      %exp3A = math.exp %neg3A_15 : vector<128x768xf32>
      %add3A = arith.constant 1.000000e+00 : f32
      %add3A_16 = vector.broadcast %add3A : f32 to vector<128x768xf32>
      %add3A_17 = arith.addf %add3A_16, %exp3A : vector<128x768xf32>
      %div3A = arith.divf %slice3A, %add3A_17 : vector<128x768xf32>
      %mul3A = arith.mulf %div3A, %slice3A_13 : vector<128x768xf32>
      %convert_element_type3A_18 = arith.truncf %mul3A : vector<128x768xf32> to vector<128x768xbf16>
      %get3A_19 = arith.constant 0 : index
      %get3A_20 = arith.constant 0 : index
      %get3A_21 = arith.constant 0 : index
      %get3A_22 = vector.load %arg4[%get3A_19, %get3A_20, %get3A_21] : memref<1x1024x768xf32, #tpu.memory_space<vmem>>, vector<1x1024x768xf32>
      %get3A_23 = vector.shape_cast %get3A_22 : vector<1x1024x768xf32> to vector<1024x768xf32>
      %convert_element_type3A_24 = arith.truncf %get3A_23 : vector<1024x768xf32> to vector<1024x768xbf16>
      %dot_general3A_25 = arith.constant dense<0.000000e+00> : vector<128x1024xf32>
      %dot_general3A_26 = tpu.matmul %convert_element_type3A_18, %convert_element_type3A_24, %dot_general3A_25 {dimension_numbers = #tpu.dot_dimension_numbers<[1], [1], [0], [0], [0, 0, 1, 0], [], []>, transpose_lhs_hint = false} : vector<128x768xbf16>, vector<1024x768xbf16>, vector<128x1024xf32> -> vector<128x1024xf32>
      %swap3A = arith.constant 0 : index
      %swap3A_27 = arith.constant 0 : index
      %swap3A_28 = vector.load %arg5[%swap3A, %swap3A_27] : memref<128x1024xf32, #tpu.memory_space<vmem>>, vector<128x1024xf32>
      tpu.vector_store %arg5[%swap3A, %swap3A_27], %dot_general3A_26 {strides = array<i32>} : memref<128x1024xf32, #tpu.memory_space<vmem>>, vector<128x1024xf32>,
    } else {
    }
    return
  }
  func.func @transform_0(%arg0: i32, %arg1: memref<48xi32, #tpu.memory_space<smem>>) -> (i32, i32) {
    %c0_i32 = arith.constant 0 : i32
    %c0_i32_0 = arith.constant 0 : i32
    return %arg0, %c0_i32 : i32, i32
  }
  func.func @transform_1(%arg0: i32, %arg1: memref<48xi32, #tpu.memory_space<smem>>) -> (i32, i32, i32) {
    %get3A = arith.index_cast %arg0 : i32 to index
    %get3A_0 = memref.load %arg1[%get3A] : memref<48xi32, #tpu.memory_space<smem>>
    %c0_i32 = arith.constant 0 : i32
    %c0_i32_1 = arith.constant 0 : i32
    %c0_i32_2 = arith.constant 0 : i32
    return %get3A_0, %c0_i32, %c0_i32_1 : i32, i32, i32
  }
  func.func @transform_2(%arg0: i32, %arg1: memref<48xi32, #tpu.memory_space<smem>>) -> (i32, i32, i32) {
    %get3A = arith.index_cast %arg0 : i32 to index
    %get3A_0 = memref.load %arg1[%get3A] : memref<48xi32, #tpu.memory_space<smem>>
    %c0_i32 = arith.constant 0 : i32
    %c0_i32_1 = arith.constant 0 : i32
    %c0_i32_2 = arith.constant 0 : i32
    return %get3A_0, %c0_i32, %c0_i32_1 : i32, i32, i32
  }
  func.func @transform_3(%arg0: i32, %arg1: memref<48xi32, #tpu.memory_space<smem>>) -> (i32, i32) {
    %c0_i32 = arith.constant 0 : i32
    %c0_i32_0 = arith.constant 0 : i32
    return %arg0, %c0_i32 : i32, i32
  }
}

module attributes {stable_mosaic.version = 14 : i64} {
  func.func @_router_body(%arg0: memref<2048x1024xf32, #tpu.memory_space<vmem>>, %arg1: memref<8x1024xf32, #tpu.memory_space<vmem>>, %arg2: memref<2048x8xf32, #tpu.memory_space<vmem>>, %arg3: memref<2048x1xi32, #tpu.memory_space<vmem>>, %arg4: memref<2048x1xi32, #tpu.memory_space<vmem>>, %arg5: memref<2048x1xf32, #tpu.memory_space<vmem>>, %arg6: memref<2048x1xf32, #tpu.memory_space<vmem>>, %arg7: memref<1x48xi32, #tpu.memory_space<vmem>>) attributes {dimension_semantics = [], scalar_prefetch = 0 : i64, scratch_operands = 0 : i64, tpu.core_type = #tpu.core_type<tc>} {
    %get3A = arith.constant 0 : index
    %get3A_0 = arith.constant 0 : index
    %get3A_1 = vector.load %arg0[%get3A, %get3A_0] : memref<2048x1024xf32, #tpu.memory_space<vmem>>, vector<2048x1024xf32>
    %get3A_2 = arith.constant 0 : index
    %get3A_3 = arith.constant 0 : index
    %get3A_4 = vector.load %arg1[%get3A_2, %get3A_3] : memref<8x1024xf32, #tpu.memory_space<vmem>>, vector<8x1024xf32>
    %dot_general3A = arith.constant dense<0.000000e+00> : vector<2048x8xf32>
    %dot_general3A_5 = tpu.matmul %get3A_1, %get3A_4, %dot_general3A {dimension_numbers = #tpu.dot_dimension_numbers<[1], [1], [0], [0], [0, 0, 1, 0], [], []>, transpose_lhs_hint = false} : vector<2048x1024xf32>, vector<8x1024xf32>, vector<2048x8xf32> -> vector<2048x8xf32>
    %swap3A = arith.constant 0 : index
    %swap3A_6 = arith.constant 0 : index
    %swap3A_7 = vector.load %arg2[%swap3A, %swap3A_6] : memref<2048x8xf32, #tpu.memory_space<vmem>>, vector<2048x8xf32>
    tpu.vector_store %arg2[%swap3A, %swap3A_6], %dot_general3A_5 {strides = array<i32>} : memref<2048x8xf32, #tpu.memory_space<vmem>>, vector<2048x8xf32>,
    %reduce_max3A = arith.constant dense<0xFF800000> : vector<2048xf32>
    %reduce_max3A_8 = vector.multi_reduction <maximumf>, %dot_general3A_5, %reduce_max3A [1] : vector<2048x8xf32> to vector<2048xf32>
    %broadcast_in_dim3A = vector.shape_cast %reduce_max3A_8 : vector<2048xf32> to vector<2048x1xf32>
    %sub3A = vector.broadcast %broadcast_in_dim3A : vector<2048x1xf32> to vector<2048x8xf32>
    %sub3A_9 = arith.subf %dot_general3A_5, %sub3A : vector<2048x8xf32>
    %exp3A = math.exp %sub3A_9 : vector<2048x8xf32>
    %reduce_sum3A = arith.constant dense<0.000000e+00> : vector<2048xf32>
    %reduce_sum3A_10 = vector.multi_reduction <add>, %exp3A, %reduce_sum3A [1] : vector<2048x8xf32> to vector<2048xf32>
    %broadcast_in_dim3A_11 = vector.shape_cast %reduce_sum3A_10 : vector<2048xf32> to vector<2048x1xf32>
    %div3A = vector.broadcast %broadcast_in_dim3A_11 : vector<2048x1xf32> to vector<2048x8xf32>
    %div3A_12 = arith.divf %exp3A, %div3A : vector<2048x8xf32>
    %iota3A = tpu.iota {dimensions = array<i32: 1>} : vector<2048x8xi32>
    %reduce_max3A_13 = arith.constant dense<0xFF800000> : vector<2048xf32>
    %reduce_max3A_14 = vector.multi_reduction <maximumf>, %div3A_12, %reduce_max3A_13 [1] : vector<2048x8xf32> to vector<2048xf32>
    %broadcast_in_dim3A_15 = vector.shape_cast %reduce_max3A_14 : vector<2048xf32> to vector<2048x1xf32>
    %eq3A = vector.broadcast %broadcast_in_dim3A_15 : vector<2048x1xf32> to vector<2048x8xf32>
    %eq3A_16 = arith.cmpf oeq, %div3A_12, %eq3A : vector<2048x8xf32>
    %jit3A = arith.constant 8 : i32
    %broadcast_in_dim3A_17 = vector.broadcast %jit3A : i32 to vector<2048x8xi32>
    %select_n3A = arith.select %eq3A_16, %iota3A, %broadcast_in_dim3A_17 : vector<2048x8xi1>, vector<2048x8xi32>
    %reduce_min3A = arith.constant dense<2147483647> : vector<2048xi32>
    %reduce_min3A_18 = vector.multi_reduction <minsi>, %select_n3A, %reduce_min3A [1] : vector<2048x8xi32> to vector<2048xi32>
    %broadcast_in_dim3A_19 = vector.shape_cast %reduce_min3A_18 : vector<2048xi32> to vector<2048x1xi32>
    %eq3A_20 = vector.broadcast %broadcast_in_dim3A_19 : vector<2048x1xi32> to vector<2048x8xi32>
    %eq3A_21 = arith.cmpi eq, %iota3A, %eq3A_20 : vector<2048x8xi32>
    %jit3A_22 = arith.constant -1.000000e+00 : f32
    %broadcast_in_dim3A_23 = vector.broadcast %jit3A_22 : f32 to vector<2048x8xf32>
    %select_n3A_24 = arith.select %eq3A_21, %broadcast_in_dim3A_23, %div3A_12 : vector<2048x8xi1>, vector<2048x8xf32>
    %reduce_max3A_25 = arith.constant dense<0xFF800000> : vector<2048xf32>
    %reduce_max3A_26 = vector.multi_reduction <maximumf>, %select_n3A_24, %reduce_max3A_25 [1] : vector<2048x8xf32> to vector<2048xf32>
    %broadcast_in_dim3A_27 = vector.shape_cast %reduce_max3A_26 : vector<2048xf32> to vector<2048x1xf32>
    %eq3A_28 = vector.broadcast %broadcast_in_dim3A_27 : vector<2048x1xf32> to vector<2048x8xf32>
    %eq3A_29 = arith.cmpf oeq, %select_n3A_24, %eq3A_28 : vector<2048x8xf32>
    %jit3A_30 = arith.constant 8 : i32
    %broadcast_in_dim3A_31 = vector.broadcast %jit3A_30 : i32 to vector<2048x8xi32>
    %select_n3A_32 = arith.select %eq3A_29, %iota3A, %broadcast_in_dim3A_31 : vector<2048x8xi1>, vector<2048x8xi32>
    %reduce_min3A_33 = arith.constant dense<2147483647> : vector<2048xi32>
    %reduce_min3A_34 = vector.multi_reduction <minsi>, %select_n3A_32, %reduce_min3A_33 [1] : vector<2048x8xi32> to vector<2048xi32>
    %broadcast_in_dim3A_35 = vector.shape_cast %reduce_min3A_34 : vector<2048xi32> to vector<2048x1xi32>
    %add3A = arith.addf %broadcast_in_dim3A_15, %broadcast_in_dim3A_27 : vector<2048x1xf32>
    %div3A_36 = arith.divf %broadcast_in_dim3A_15, %add3A : vector<2048x1xf32>
    %swap3A_37 = arith.constant 0 : index
    %swap3A_38 = arith.constant 0 : index
    %swap3A_39 = vector.load %arg5[%swap3A_37, %swap3A_38] : memref<2048x1xf32, #tpu.memory_space<vmem>>, vector<2048x1xf32>
    tpu.vector_store %arg5[%swap3A_37, %swap3A_38], %div3A_36 {strides = array<i32>} : memref<2048x1xf32, #tpu.memory_space<vmem>>, vector<2048x1xf32>,
    %div3A_40 = arith.divf %broadcast_in_dim3A_27, %add3A : vector<2048x1xf32>
    %swap3A_41 = arith.constant 0 : index
    %swap3A_42 = arith.constant 0 : index
    %swap3A_43 = vector.load %arg6[%swap3A_41, %swap3A_42] : memref<2048x1xf32, #tpu.memory_space<vmem>>, vector<2048x1xf32>
    tpu.vector_store %arg6[%swap3A_41, %swap3A_42], %div3A_40 {strides = array<i32>} : memref<2048x1xf32, #tpu.memory_space<vmem>>, vector<2048x1xf32>,
    %eq3A_44 = vector.broadcast %broadcast_in_dim3A_19 : vector<2048x1xi32> to vector<2048x8xi32>
    %eq3A_45 = arith.cmpi eq, %iota3A, %eq3A_44 : vector<2048x8xi32>
    %convert_element_type3A = arith.extui %eq3A_45 : vector<2048x8xi1> to vector<2048x8xi32>
    %convert_element_type3A_46 = arith.sitofp %convert_element_type3A : vector<2048x8xi32> to vector<2048x8xf32>
    %eq3A_47 = vector.broadcast %broadcast_in_dim3A_35 : vector<2048x1xi32> to vector<2048x8xi32>
    %eq3A_48 = arith.cmpi eq, %iota3A, %eq3A_47 : vector<2048x8xi32>
    %convert_element_type3A_49 = arith.extui %eq3A_48 : vector<2048x8xi1> to vector<2048x8xi32>
    %convert_element_type3A_50 = arith.sitofp %convert_element_type3A_49 : vector<2048x8xi32> to vector<2048x8xf32>
    %add3A_51 = arith.addf %convert_element_type3A_46, %convert_element_type3A_50 : vector<2048x8xf32>
    %iota3A_52 = tpu.iota {dimensions = array<i32: 0>} : vector<128x128xi32>
    %iota3A_53 = tpu.iota {dimensions = array<i32: 1>} : vector<128x128xi32>
    %lt3A = arith.cmpi slt, %iota3A_53, %iota3A_52 : vector<128x128xi32>
    %convert_element_type3A_54 = arith.extui %lt3A : vector<128x128xi1> to vector<128x128xi32>
    %convert_element_type3A_55 = arith.sitofp %convert_element_type3A_54 : vector<128x128xi32> to vector<128x128xf32>
    %convert_element_type3A_56 = arith.truncf %convert_element_type3A_55 : vector<128x128xf32> to vector<128x128xbf16>
    %slice3A = vector.extract_strided_slice %add3A_51 {offsets = [0, 0], sizes = [128, 8], strides = [1, 1]} : vector<2048x8xf32> to vector<128x8xf32>
    %convert_element_type3A_57 = arith.truncf %slice3A : vector<128x8xf32> to vector<128x8xbf16>
    %dot_general3A_58 = arith.constant dense<0.000000e+00> : vector<128x8xf32>
    %dot_general3A_59 = tpu.matmul %convert_element_type3A_56, %convert_element_type3A_57, %dot_general3A_58 {dimension_numbers = #tpu.dot_dimension_numbers<[1], [0], [0], [1], [0, 0, 1, 1], [], []>, transpose_lhs_hint = false} : vector<128x128xbf16>, vector<128x8xbf16>, vector<128x8xf32> -> vector<128x8xf32>
    %reduce_sum3A_60 = arith.constant dense<0.000000e+00> : vector<8xf32>
    %reduce_sum3A_61 = vector.multi_reduction <add>, %slice3A, %reduce_sum3A_60 [0] : vector<128x8xf32> to vector<8xf32>
    %broadcast_in_dim3A_62 = vector.shape_cast %reduce_sum3A_61 : vector<8xf32> to vector<1x8xf32>
    %slice3A_63 = vector.extract_strided_slice %add3A_51 {offsets = [128, 0], sizes = [128, 8], strides = [1, 1]} : vector<2048x8xf32> to vector<128x8xf32>
    %convert_element_type3A_64 = arith.truncf %slice3A_63 : vector<128x8xf32> to vector<128x8xbf16>
    %dot_general3A_65 = arith.constant dense<0.000000e+00> : vector<128x8xf32>
    %dot_general3A_66 = tpu.matmul %convert_element_type3A_56, %convert_element_type3A_64, %dot_general3A_65 {dimension_numbers = #tpu.dot_dimension_numbers<[1], [0], [0], [1], [0, 0, 1, 1], [], []>, transpose_lhs_hint = false} : vector<128x128xbf16>, vector<128x8xbf16>, vector<128x8xf32> -> vector<128x8xf32>
    %reduce_sum3A_67 = arith.constant dense<0.000000e+00> : vector<8xf32>
    %reduce_sum3A_68 = vector.multi_reduction <add>, %slice3A_63, %reduce_sum3A_67 [0] : vector<128x8xf32> to vector<8xf32>
    %broadcast_in_dim3A_69 = vector.shape_cast %reduce_sum3A_68 : vector<8xf32> to vector<1x8xf32>
    %slice3A_70 = vector.extract_strided_slice %add3A_51 {offsets = [256, 0], sizes = [128, 8], strides = [1, 1]} : vector<2048x8xf32> to vector<128x8xf32>
    %convert_element_type3A_71 = arith.truncf %slice3A_70 : vector<128x8xf32> to vector<128x8xbf16>
    %dot_general3A_72 = arith.constant dense<0.000000e+00> : vector<128x8xf32>
    %dot_general3A_73 = tpu.matmul %convert_element_type3A_56, %convert_element_type3A_71, %dot_general3A_72 {dimension_numbers = #tpu.dot_dimension_numbers<[1], [0], [0], [1], [0, 0, 1, 1], [], []>, transpose_lhs_hint = false} : vector<128x128xbf16>, vector<128x8xbf16>, vector<128x8xf32> -> vector<128x8xf32>
    %reduce_sum3A_74 = arith.constant dense<0.000000e+00> : vector<8xf32>
    %reduce_sum3A_75 = vector.multi_reduction <add>, %slice3A_70, %reduce_sum3A_74 [0] : vector<128x8xf32> to vector<8xf32>
    %broadcast_in_dim3A_76 = vector.shape_cast %reduce_sum3A_75 : vector<8xf32> to vector<1x8xf32>
    %slice3A_77 = vector.extract_strided_slice %add3A_51 {offsets = [384, 0], sizes = [128, 8], strides = [1, 1]} : vector<2048x8xf32> to vector<128x8xf32>
    %convert_element_type3A_78 = arith.truncf %slice3A_77 : vector<128x8xf32> to vector<128x8xbf16>
    %dot_general3A_79 = arith.constant dense<0.000000e+00> : vector<128x8xf32>
    %dot_general3A_80 = tpu.matmul %convert_element_type3A_56, %convert_element_type3A_78, %dot_general3A_79 {dimension_numbers = #tpu.dot_dimension_numbers<[1], [0], [0], [1], [0, 0, 1, 1], [], []>, transpose_lhs_hint = false} : vector<128x128xbf16>, vector<128x8xbf16>, vector<128x8xf32> -> vector<128x8xf32>
    %reduce_sum3A_81 = arith.constant dense<0.000000e+00> : vector<8xf32>
    %reduce_sum3A_82 = vector.multi_reduction <add>, %slice3A_77, %reduce_sum3A_81 [0] : vector<128x8xf32> to vector<8xf32>
    %broadcast_in_dim3A_83 = vector.shape_cast %reduce_sum3A_82 : vector<8xf32> to vector<1x8xf32>
    %slice3A_84 = vector.extract_strided_slice %add3A_51 {offsets = [512, 0], sizes = [128, 8], strides = [1, 1]} : vector<2048x8xf32> to vector<128x8xf32>
    %convert_element_type3A_85 = arith.truncf %slice3A_84 : vector<128x8xf32> to vector<128x8xbf16>
    %dot_general3A_86 = arith.constant dense<0.000000e+00> : vector<128x8xf32>
    %dot_general3A_87 = tpu.matmul %convert_element_type3A_56, %convert_element_type3A_85, %dot_general3A_86 {dimension_numbers = #tpu.dot_dimension_numbers<[1], [0], [0], [1], [0, 0, 1, 1], [], []>, transpose_lhs_hint = false} : vector<128x128xbf16>, vector<128x8xbf16>, vector<128x8xf32> -> vector<128x8xf32>
    %reduce_sum3A_88 = arith.constant dense<0.000000e+00> : vector<8xf32>
    %reduce_sum3A_89 = vector.multi_reduction <add>, %slice3A_84, %reduce_sum3A_88 [0] : vector<128x8xf32> to vector<8xf32>
    %broadcast_in_dim3A_90 = vector.shape_cast %reduce_sum3A_89 : vector<8xf32> to vector<1x8xf32>
    %slice3A_91 = vector.extract_strided_slice %add3A_51 {offsets = [640, 0], sizes = [128, 8], strides = [1, 1]} : vector<2048x8xf32> to vector<128x8xf32>
    %convert_element_type3A_92 = arith.truncf %slice3A_91 : vector<128x8xf32> to vector<128x8xbf16>
    %dot_general3A_93 = arith.constant dense<0.000000e+00> : vector<128x8xf32>
    %dot_general3A_94 = tpu.matmul %convert_element_type3A_56, %convert_element_type3A_92, %dot_general3A_93 {dimension_numbers = #tpu.dot_dimension_numbers<[1], [0], [0], [1], [0, 0, 1, 1], [], []>, transpose_lhs_hint = false} : vector<128x128xbf16>, vector<128x8xbf16>, vector<128x8xf32> -> vector<128x8xf32>
    %reduce_sum3A_95 = arith.constant dense<0.000000e+00> : vector<8xf32>
    %reduce_sum3A_96 = vector.multi_reduction <add>, %slice3A_91, %reduce_sum3A_95 [0] : vector<128x8xf32> to vector<8xf32>
    %broadcast_in_dim3A_97 = vector.shape_cast %reduce_sum3A_96 : vector<8xf32> to vector<1x8xf32>
    %slice3A_98 = vector.extract_strided_slice %add3A_51 {offsets = [768, 0], sizes = [128, 8], strides = [1, 1]} : vector<2048x8xf32> to vector<128x8xf32>
    %convert_element_type3A_99 = arith.truncf %slice3A_98 : vector<128x8xf32> to vector<128x8xbf16>
    %dot_general3A_100 = arith.constant dense<0.000000e+00> : vector<128x8xf32>
    %dot_general3A_101 = tpu.matmul %convert_element_type3A_56, %convert_element_type3A_99, %dot_general3A_100 {dimension_numbers = #tpu.dot_dimension_numbers<[1], [0], [0], [1], [0, 0, 1, 1], [], []>, transpose_lhs_hint = false} : vector<128x128xbf16>, vector<128x8xbf16>, vector<128x8xf32> -> vector<128x8xf32>
    %reduce_sum3A_102 = arith.constant dense<0.000000e+00> : vector<8xf32>
    %reduce_sum3A_103 = vector.multi_reduction <add>, %slice3A_98, %reduce_sum3A_102 [0] : vector<128x8xf32> to vector<8xf32>
    %broadcast_in_dim3A_104 = vector.shape_cast %reduce_sum3A_103 : vector<8xf32> to vector<1x8xf32>
    %slice3A_105 = vector.extract_strided_slice %add3A_51 {offsets = [896, 0], sizes = [128, 8], strides = [1, 1]} : vector<2048x8xf32> to vector<128x8xf32>
    %convert_element_type3A_106 = arith.truncf %slice3A_105 : vector<128x8xf32> to vector<128x8xbf16>
    %dot_general3A_107 = arith.constant dense<0.000000e+00> : vector<128x8xf32>
    %dot_general3A_108 = tpu.matmul %convert_element_type3A_56, %convert_element_type3A_106, %dot_general3A_107 {dimension_numbers = #tpu.dot_dimension_numbers<[1], [0], [0], [1], [0, 0, 1, 1], [], []>, transpose_lhs_hint = false} : vector<128x128xbf16>, vector<128x8xbf16>, vector<128x8xf32> -> vector<128x8xf32>
    %reduce_sum3A_109 = arith.constant dense<0.000000e+00> : vector<8xf32>
    %reduce_sum3A_110 = vector.multi_reduction <add>, %slice3A_105, %reduce_sum3A_109 [0] : vector<128x8xf32> to vector<8xf32>
    %broadcast_in_dim3A_111 = vector.shape_cast %reduce_sum3A_110 : vector<8xf32> to vector<1x8xf32>
    %slice3A_112 = vector.extract_strided_slice %add3A_51 {offsets = [1024, 0], sizes = [128, 8], strides = [1, 1]} : vector<2048x8xf32> to vector<128x8xf32>
    %convert_element_type3A_113 = arith.truncf %slice3A_112 : vector<128x8xf32> to vector<128x8xbf16>
    %dot_general3A_114 = arith.constant dense<0.000000e+00> : vector<128x8xf32>
    %dot_general3A_115 = tpu.matmul %convert_element_type3A_56, %convert_element_type3A_113, %dot_general3A_114 {dimension_numbers = #tpu.dot_dimension_numbers<[1], [0], [0], [1], [0, 0, 1, 1], [], []>, transpose_lhs_hint = false} : vector<128x128xbf16>, vector<128x8xbf16>, vector<128x8xf32> -> vector<128x8xf32>
    %reduce_sum3A_116 = arith.constant dense<0.000000e+00> : vector<8xf32>
    %reduce_sum3A_117 = vector.multi_reduction <add>, %slice3A_112, %reduce_sum3A_116 [0] : vector<128x8xf32> to vector<8xf32>
    %broadcast_in_dim3A_118 = vector.shape_cast %reduce_sum3A_117 : vector<8xf32> to vector<1x8xf32>
    %slice3A_119 = vector.extract_strided_slice %add3A_51 {offsets = [1152, 0], sizes = [128, 8], strides = [1, 1]} : vector<2048x8xf32> to vector<128x8xf32>
    %convert_element_type3A_120 = arith.truncf %slice3A_119 : vector<128x8xf32> to vector<128x8xbf16>
    %dot_general3A_121 = arith.constant dense<0.000000e+00> : vector<128x8xf32>
    %dot_general3A_122 = tpu.matmul %convert_element_type3A_56, %convert_element_type3A_120, %dot_general3A_121 {dimension_numbers = #tpu.dot_dimension_numbers<[1], [0], [0], [1], [0, 0, 1, 1], [], []>, transpose_lhs_hint = false} : vector<128x128xbf16>, vector<128x8xbf16>, vector<128x8xf32> -> vector<128x8xf32>
    %reduce_sum3A_123 = arith.constant dense<0.000000e+00> : vector<8xf32>
    %reduce_sum3A_124 = vector.multi_reduction <add>, %slice3A_119, %reduce_sum3A_123 [0] : vector<128x8xf32> to vector<8xf32>
    %broadcast_in_dim3A_125 = vector.shape_cast %reduce_sum3A_124 : vector<8xf32> to vector<1x8xf32>
    %slice3A_126 = vector.extract_strided_slice %add3A_51 {offsets = [1280, 0], sizes = [128, 8], strides = [1, 1]} : vector<2048x8xf32> to vector<128x8xf32>
    %convert_element_type3A_127 = arith.truncf %slice3A_126 : vector<128x8xf32> to vector<128x8xbf16>
    %dot_general3A_128 = arith.constant dense<0.000000e+00> : vector<128x8xf32>
    %dot_general3A_129 = tpu.matmul %convert_element_type3A_56, %convert_element_type3A_127, %dot_general3A_128 {dimension_numbers = #tpu.dot_dimension_numbers<[1], [0], [0], [1], [0, 0, 1, 1], [], []>, transpose_lhs_hint = false} : vector<128x128xbf16>, vector<128x8xbf16>, vector<128x8xf32> -> vector<128x8xf32>
    %reduce_sum3A_130 = arith.constant dense<0.000000e+00> : vector<8xf32>
    %reduce_sum3A_131 = vector.multi_reduction <add>, %slice3A_126, %reduce_sum3A_130 [0] : vector<128x8xf32> to vector<8xf32>
    %broadcast_in_dim3A_132 = vector.shape_cast %reduce_sum3A_131 : vector<8xf32> to vector<1x8xf32>
    %slice3A_133 = vector.extract_strided_slice %add3A_51 {offsets = [1408, 0], sizes = [128, 8], strides = [1, 1]} : vector<2048x8xf32> to vector<128x8xf32>
    %convert_element_type3A_134 = arith.truncf %slice3A_133 : vector<128x8xf32> to vector<128x8xbf16>
    %dot_general3A_135 = arith.constant dense<0.000000e+00> : vector<128x8xf32>
    %dot_general3A_136 = tpu.matmul %convert_element_type3A_56, %convert_element_type3A_134, %dot_general3A_135 {dimension_numbers = #tpu.dot_dimension_numbers<[1], [0], [0], [1], [0, 0, 1, 1], [], []>, transpose_lhs_hint = false} : vector<128x128xbf16>, vector<128x8xbf16>, vector<128x8xf32> -> vector<128x8xf32>
    %reduce_sum3A_137 = arith.constant dense<0.000000e+00> : vector<8xf32>
    %reduce_sum3A_138 = vector.multi_reduction <add>, %slice3A_133, %reduce_sum3A_137 [0] : vector<128x8xf32> to vector<8xf32>
    %broadcast_in_dim3A_139 = vector.shape_cast %reduce_sum3A_138 : vector<8xf32> to vector<1x8xf32>
    %slice3A_140 = vector.extract_strided_slice %add3A_51 {offsets = [1536, 0], sizes = [128, 8], strides = [1, 1]} : vector<2048x8xf32> to vector<128x8xf32>
    %convert_element_type3A_141 = arith.truncf %slice3A_140 : vector<128x8xf32> to vector<128x8xbf16>
    %dot_general3A_142 = arith.constant dense<0.000000e+00> : vector<128x8xf32>
    %dot_general3A_143 = tpu.matmul %convert_element_type3A_56, %convert_element_type3A_141, %dot_general3A_142 {dimension_numbers = #tpu.dot_dimension_numbers<[1], [0], [0], [1], [0, 0, 1, 1], [], []>, transpose_lhs_hint = false} : vector<128x128xbf16>, vector<128x8xbf16>, vector<128x8xf32> -> vector<128x8xf32>
    %reduce_sum3A_144 = arith.constant dense<0.000000e+00> : vector<8xf32>
    %reduce_sum3A_145 = vector.multi_reduction <add>, %slice3A_140, %reduce_sum3A_144 [0] : vector<128x8xf32> to vector<8xf32>
    %broadcast_in_dim3A_146 = vector.shape_cast %reduce_sum3A_145 : vector<8xf32> to vector<1x8xf32>
    %slice3A_147 = vector.extract_strided_slice %add3A_51 {offsets = [1664, 0], sizes = [128, 8], strides = [1, 1]} : vector<2048x8xf32> to vector<128x8xf32>
    %convert_element_type3A_148 = arith.truncf %slice3A_147 : vector<128x8xf32> to vector<128x8xbf16>
    %dot_general3A_149 = arith.constant dense<0.000000e+00> : vector<128x8xf32>
    %dot_general3A_150 = tpu.matmul %convert_element_type3A_56, %convert_element_type3A_148, %dot_general3A_149 {dimension_numbers = #tpu.dot_dimension_numbers<[1], [0], [0], [1], [0, 0, 1, 1], [], []>, transpose_lhs_hint = false} : vector<128x128xbf16>, vector<128x8xbf16>, vector<128x8xf32> -> vector<128x8xf32>
    %reduce_sum3A_151 = arith.constant dense<0.000000e+00> : vector<8xf32>
    %reduce_sum3A_152 = vector.multi_reduction <add>, %slice3A_147, %reduce_sum3A_151 [0] : vector<128x8xf32> to vector<8xf32>
    %broadcast_in_dim3A_153 = vector.shape_cast %reduce_sum3A_152 : vector<8xf32> to vector<1x8xf32>
    %slice3A_154 = vector.extract_strided_slice %add3A_51 {offsets = [1792, 0], sizes = [128, 8], strides = [1, 1]} : vector<2048x8xf32> to vector<128x8xf32>
    %convert_element_type3A_155 = arith.truncf %slice3A_154 : vector<128x8xf32> to vector<128x8xbf16>
    %dot_general3A_156 = arith.constant dense<0.000000e+00> : vector<128x8xf32>
    %dot_general3A_157 = tpu.matmul %convert_element_type3A_56, %convert_element_type3A_155, %dot_general3A_156 {dimension_numbers = #tpu.dot_dimension_numbers<[1], [0], [0], [1], [0, 0, 1, 1], [], []>, transpose_lhs_hint = false} : vector<128x128xbf16>, vector<128x8xbf16>, vector<128x8xf32> -> vector<128x8xf32>
    %reduce_sum3A_158 = arith.constant dense<0.000000e+00> : vector<8xf32>
    %reduce_sum3A_159 = vector.multi_reduction <add>, %slice3A_154, %reduce_sum3A_158 [0] : vector<128x8xf32> to vector<8xf32>
    %broadcast_in_dim3A_160 = vector.shape_cast %reduce_sum3A_159 : vector<8xf32> to vector<1x8xf32>
    %slice3A_161 = vector.extract_strided_slice %add3A_51 {offsets = [1920, 0], sizes = [128, 8], strides = [1, 1]} : vector<2048x8xf32> to vector<128x8xf32>
    %convert_element_type3A_162 = arith.truncf %slice3A_161 : vector<128x8xf32> to vector<128x8xbf16>
    %dot_general3A_163 = arith.constant dense<0.000000e+00> : vector<128x8xf32>
    %dot_general3A_164 = tpu.matmul %convert_element_type3A_56, %convert_element_type3A_162, %dot_general3A_163 {dimension_numbers = #tpu.dot_dimension_numbers<[1], [0], [0], [1], [0, 0, 1, 1], [], []>, transpose_lhs_hint = false} : vector<128x128xbf16>, vector<128x8xbf16>, vector<128x8xf32> -> vector<128x8xf32>
    %reduce_sum3A_165 = arith.constant dense<0.000000e+00> : vector<8xf32>
    %reduce_sum3A_166 = vector.multi_reduction <add>, %slice3A_161, %reduce_sum3A_165 [0] : vector<128x8xf32> to vector<8xf32>
    %broadcast_in_dim3A_167 = vector.shape_cast %reduce_sum3A_166 : vector<8xf32> to vector<1x8xf32>
    %concatenate3A = tpu.concatenate %broadcast_in_dim3A_62, %broadcast_in_dim3A_69, %broadcast_in_dim3A_76, %broadcast_in_dim3A_83, %broadcast_in_dim3A_90, %broadcast_in_dim3A_97, %broadcast_in_dim3A_104, %broadcast_in_dim3A_111, %broadcast_in_dim3A_118, %broadcast_in_dim3A_125, %broadcast_in_dim3A_132, %broadcast_in_dim3A_139, %broadcast_in_dim3A_146, %broadcast_in_dim3A_153, %broadcast_in_dim3A_160, %broadcast_in_dim3A_167 in 0 : vector<1x8xf32>, vector<1x8xf32>, vector<1x8xf32>, vector<1x8xf32>, vector<1x8xf32>, vector<1x8xf32>, vector<1x8xf32>, vector<1x8xf32>, vector<1x8xf32>, vector<1x8xf32>, vector<1x8xf32>, vector<1x8xf32>, vector<1x8xf32>, vector<1x8xf32>, vector<1x8xf32>, vector<1x8xf32> -> vector<16x8xf32>
    %iota3A_168 = tpu.iota {dimensions = array<i32: 0>} : vector<16x16xi32>
    %iota3A_169 = tpu.iota {dimensions = array<i32: 1>} : vector<16x16xi32>
    %lt3A_170 = arith.cmpi slt, %iota3A_169, %iota3A_168 : vector<16x16xi32>
    %convert_element_type3A_171 = arith.extui %lt3A_170 : vector<16x16xi1> to vector<16x16xi32>
    %convert_element_type3A_172 = arith.sitofp %convert_element_type3A_171 : vector<16x16xi32> to vector<16x16xf32>
    %dot_general3A_173 = arith.constant dense<0.000000e+00> : vector<16x8xf32>
    %dot_general3A_174 = tpu.matmul %convert_element_type3A_172, %concatenate3A, %dot_general3A_173 {dimension_numbers = #tpu.dot_dimension_numbers<[1], [0], [0], [1], [0, 0, 1, 1], [], []>, transpose_lhs_hint = false} : vector<16x16xf32>, vector<16x8xf32>, vector<16x8xf32> -> vector<16x8xf32>
    %slice3A_175 = vector.extract_strided_slice %dot_general3A_174 {offsets = [0, 0], sizes = [1, 8], strides = [1, 1]} : vector<16x8xf32> to vector<1x8xf32>
    %add3A_176 = vector.broadcast %slice3A_175 : vector<1x8xf32> to vector<128x8xf32>
    %add3A_177 = arith.addf %dot_general3A_59, %add3A_176 : vector<128x8xf32>
    %slice3A_178 = vector.extract_strided_slice %dot_general3A_174 {offsets = [1, 0], sizes = [1, 8], strides = [1, 1]} : vector<16x8xf32> to vector<1x8xf32>
    %add3A_179 = vector.broadcast %slice3A_178 : vector<1x8xf32> to vector<128x8xf32>
    %add3A_180 = arith.addf %dot_general3A_66, %add3A_179 : vector<128x8xf32>
    %slice3A_181 = vector.extract_strided_slice %dot_general3A_174 {offsets = [2, 0], sizes = [1, 8], strides = [1, 1]} : vector<16x8xf32> to vector<1x8xf32>
    %add3A_182 = vector.broadcast %slice3A_181 : vector<1x8xf32> to vector<128x8xf32>
    %add3A_183 = arith.addf %dot_general3A_73, %add3A_182 : vector<128x8xf32>
    %slice3A_184 = vector.extract_strided_slice %dot_general3A_174 {offsets = [3, 0], sizes = [1, 8], strides = [1, 1]} : vector<16x8xf32> to vector<1x8xf32>
    %add3A_185 = vector.broadcast %slice3A_184 : vector<1x8xf32> to vector<128x8xf32>
    %add3A_186 = arith.addf %dot_general3A_80, %add3A_185 : vector<128x8xf32>
    %slice3A_187 = vector.extract_strided_slice %dot_general3A_174 {offsets = [4, 0], sizes = [1, 8], strides = [1, 1]} : vector<16x8xf32> to vector<1x8xf32>
    %add3A_188 = vector.broadcast %slice3A_187 : vector<1x8xf32> to vector<128x8xf32>
    %add3A_189 = arith.addf %dot_general3A_87, %add3A_188 : vector<128x8xf32>
    %slice3A_190 = vector.extract_strided_slice %dot_general3A_174 {offsets = [5, 0], sizes = [1, 8], strides = [1, 1]} : vector<16x8xf32> to vector<1x8xf32>
    %add3A_191 = vector.broadcast %slice3A_190 : vector<1x8xf32> to vector<128x8xf32>
    %add3A_192 = arith.addf %dot_general3A_94, %add3A_191 : vector<128x8xf32>
    %slice3A_193 = vector.extract_strided_slice %dot_general3A_174 {offsets = [6, 0], sizes = [1, 8], strides = [1, 1]} : vector<16x8xf32> to vector<1x8xf32>
    %add3A_194 = vector.broadcast %slice3A_193 : vector<1x8xf32> to vector<128x8xf32>
    %add3A_195 = arith.addf %dot_general3A_101, %add3A_194 : vector<128x8xf32>
    %slice3A_196 = vector.extract_strided_slice %dot_general3A_174 {offsets = [7, 0], sizes = [1, 8], strides = [1, 1]} : vector<16x8xf32> to vector<1x8xf32>
    %add3A_197 = vector.broadcast %slice3A_196 : vector<1x8xf32> to vector<128x8xf32>
    %add3A_198 = arith.addf %dot_general3A_108, %add3A_197 : vector<128x8xf32>
    %slice3A_199 = vector.extract_strided_slice %dot_general3A_174 {offsets = [8, 0], sizes = [1, 8], strides = [1, 1]} : vector<16x8xf32> to vector<1x8xf32>
    %add3A_200 = vector.broadcast %slice3A_199 : vector<1x8xf32> to vector<128x8xf32>
    %add3A_201 = arith.addf %dot_general3A_115, %add3A_200 : vector<128x8xf32>
    %slice3A_202 = vector.extract_strided_slice %dot_general3A_174 {offsets = [9, 0], sizes = [1, 8], strides = [1, 1]} : vector<16x8xf32> to vector<1x8xf32>
    %add3A_203 = vector.broadcast %slice3A_202 : vector<1x8xf32> to vector<128x8xf32>
    %add3A_204 = arith.addf %dot_general3A_122, %add3A_203 : vector<128x8xf32>
    %slice3A_205 = vector.extract_strided_slice %dot_general3A_174 {offsets = [10, 0], sizes = [1, 8], strides = [1, 1]} : vector<16x8xf32> to vector<1x8xf32>
    %add3A_206 = vector.broadcast %slice3A_205 : vector<1x8xf32> to vector<128x8xf32>
    %add3A_207 = arith.addf %dot_general3A_129, %add3A_206 : vector<128x8xf32>
    %slice3A_208 = vector.extract_strided_slice %dot_general3A_174 {offsets = [11, 0], sizes = [1, 8], strides = [1, 1]} : vector<16x8xf32> to vector<1x8xf32>
    %add3A_209 = vector.broadcast %slice3A_208 : vector<1x8xf32> to vector<128x8xf32>
    %add3A_210 = arith.addf %dot_general3A_136, %add3A_209 : vector<128x8xf32>
    %slice3A_211 = vector.extract_strided_slice %dot_general3A_174 {offsets = [12, 0], sizes = [1, 8], strides = [1, 1]} : vector<16x8xf32> to vector<1x8xf32>
    %add3A_212 = vector.broadcast %slice3A_211 : vector<1x8xf32> to vector<128x8xf32>
    %add3A_213 = arith.addf %dot_general3A_143, %add3A_212 : vector<128x8xf32>
    %slice3A_214 = vector.extract_strided_slice %dot_general3A_174 {offsets = [13, 0], sizes = [1, 8], strides = [1, 1]} : vector<16x8xf32> to vector<1x8xf32>
    %add3A_215 = vector.broadcast %slice3A_214 : vector<1x8xf32> to vector<128x8xf32>
    %add3A_216 = arith.addf %dot_general3A_150, %add3A_215 : vector<128x8xf32>
    %slice3A_217 = vector.extract_strided_slice %dot_general3A_174 {offsets = [14, 0], sizes = [1, 8], strides = [1, 1]} : vector<16x8xf32> to vector<1x8xf32>
    %add3A_218 = vector.broadcast %slice3A_217 : vector<1x8xf32> to vector<128x8xf32>
    %add3A_219 = arith.addf %dot_general3A_157, %add3A_218 : vector<128x8xf32>
    %slice3A_220 = vector.extract_strided_slice %dot_general3A_174 {offsets = [15, 0], sizes = [1, 8], strides = [1, 1]} : vector<16x8xf32> to vector<1x8xf32>
    %add3A_221 = vector.broadcast %slice3A_220 : vector<1x8xf32> to vector<128x8xf32>
    %add3A_222 = arith.addf %dot_general3A_164, %add3A_221 : vector<128x8xf32>
    %concatenate3A_223 = tpu.concatenate %add3A_177, %add3A_180, %add3A_183, %add3A_186, %add3A_189, %add3A_192, %add3A_195, %add3A_198, %add3A_201, %add3A_204, %add3A_207, %add3A_210, %add3A_213, %add3A_216, %add3A_219, %add3A_222 in 0 : vector<128x8xf32>, vector<128x8xf32>, vector<128x8xf32>, vector<128x8xf32>, vector<128x8xf32>, vector<128x8xf32>, vector<128x8xf32>, vector<128x8xf32>, vector<128x8xf32>, vector<128x8xf32>, vector<128x8xf32>, vector<128x8xf32>, vector<128x8xf32>, vector<128x8xf32>, vector<128x8xf32>, vector<128x8xf32> -> vector<2048x8xf32>
    %slice3A_224 = vector.extract_strided_slice %dot_general3A_174 {offsets = [15, 0], sizes = [1, 8], strides = [1, 1]} : vector<16x8xf32> to vector<1x8xf32>
    %slice3A_225 = vector.extract_strided_slice %concatenate3A {offsets = [15, 0], sizes = [1, 8], strides = [1, 1]} : vector<16x8xf32> to vector<1x8xf32>
    %add3A_226 = arith.addf %slice3A_224, %slice3A_225 : vector<1x8xf32>
    %add3A_227 = arith.constant 1.270000e+02 : f32
    %add3A_228 = vector.broadcast %add3A_227 : f32 to vector<1x8xf32>
    %add3A_229 = arith.addf %add3A_226, %add3A_228 : vector<1x8xf32>
    %div3A_230 = arith.constant 1.280000e+02 : f32
    %div3A_231 = vector.broadcast %div3A_230 : f32 to vector<1x8xf32>
    %div3A_232 = arith.divf %add3A_229, %div3A_231 : vector<1x8xf32>
    %floor3A = math.floor %div3A_232 : vector<1x8xf32>
    %iota3A_233 = tpu.iota {dimensions = array<i32: 0>} : vector<8x8xi32>
    %iota3A_234 = tpu.iota {dimensions = array<i32: 1>} : vector<8x8xi32>
    %broadcast_in_dim3A_235 = vector.shape_cast %floor3A : vector<1x8xf32> to vector<1x8xf32>
    %broadcast_in_dim3A_236 = vector.broadcast %broadcast_in_dim3A_235 : vector<1x8xf32> to vector<8x8xf32>
    %lt3A_237 = arith.cmpi slt, %iota3A_234, %iota3A_233 : vector<8x8xi32>
    %jit3A_238 = arith.constant 0.000000e+00 : f32
    %broadcast_in_dim3A_239 = vector.broadcast %jit3A_238 : f32 to vector<8x8xf32>
    %select_n3A_240 = arith.select %lt3A_237, %broadcast_in_dim3A_236, %broadcast_in_dim3A_239 : vector<8x8xi1>, vector<8x8xf32>
    %reduce_sum3A_241 = arith.constant dense<0.000000e+00> : vector<8xf32>
    %reduce_sum3A_242 = vector.multi_reduction <add>, %select_n3A_240, %reduce_sum3A_241 [1] : vector<8x8xf32> to vector<8xf32>
    %broadcast_in_dim3A_243 = vector.shape_cast %reduce_sum3A_242 : vector<8xf32> to vector<8x1xf32>
    %le3A = arith.cmpi sle, %iota3A_234, %iota3A_233 : vector<8x8xi32>
    %jit3A_244 = arith.constant 0.000000e+00 : f32
    %broadcast_in_dim3A_245 = vector.broadcast %jit3A_244 : f32 to vector<8x8xf32>
    %select_n3A_246 = arith.select %le3A, %broadcast_in_dim3A_236, %broadcast_in_dim3A_245 : vector<8x8xi1>, vector<8x8xf32>
    %reduce_sum3A_247 = arith.constant dense<0.000000e+00> : vector<8xf32>
    %reduce_sum3A_248 = vector.multi_reduction <add>, %select_n3A_246, %reduce_sum3A_247 [1] : vector<8x8xf32> to vector<8xf32>
    %broadcast_in_dim3A_249 = vector.shape_cast %reduce_sum3A_248 : vector<8xf32> to vector<8x1xf32>
    %mul3A = arith.constant 1.280000e+02 : f32
    %mul3A_250 = vector.broadcast %mul3A : f32 to vector<8x1xf32>
    %mul3A_251 = arith.mulf %broadcast_in_dim3A_243, %mul3A_250 : vector<8x1xf32>
    %dot_general3A_252 = arith.constant dense<0.000000e+00> : vector<2048x1xf32>
    %dot_general3A_253 = tpu.matmul %convert_element_type3A_46, %mul3A_251, %dot_general3A_252 {dimension_numbers = #tpu.dot_dimension_numbers<[1], [0], [0], [1], [0, 0, 1, 1], [], []>, transpose_lhs_hint = false} : vector<2048x8xf32>, vector<8x1xf32>, vector<2048x1xf32> -> vector<2048x1xf32>
    %dot_general3A_254 = arith.constant dense<0.000000e+00> : vector<2048x1xf32>
    %dot_general3A_255 = tpu.matmul %convert_element_type3A_50, %mul3A_251, %dot_general3A_254 {dimension_numbers = #tpu.dot_dimension_numbers<[1], [0], [0], [1], [0, 0, 1, 1], [], []>, transpose_lhs_hint = false} : vector<2048x8xf32>, vector<8x1xf32>, vector<2048x1xf32> -> vector<2048x1xf32>
    %mul3A_256 = arith.mulf %convert_element_type3A_46, %concatenate3A_223 : vector<2048x8xf32>
    %reduce_sum3A_257 = arith.constant dense<0.000000e+00> : vector<2048xf32>
    %reduce_sum3A_258 = vector.multi_reduction <add>, %mul3A_256, %reduce_sum3A_257 [1] : vector<2048x8xf32> to vector<2048xf32>
    %broadcast_in_dim3A_259 = vector.shape_cast %reduce_sum3A_258 : vector<2048xf32> to vector<2048x1xf32>
    %mul3A_260 = arith.mulf %convert_element_type3A_50, %concatenate3A_223 : vector<2048x8xf32>
    %reduce_sum3A_261 = arith.constant dense<0.000000e+00> : vector<2048xf32>
    %reduce_sum3A_262 = vector.multi_reduction <add>, %mul3A_260, %reduce_sum3A_261 [1] : vector<2048x8xf32> to vector<2048xf32>
    %broadcast_in_dim3A_263 = vector.shape_cast %reduce_sum3A_262 : vector<2048xf32> to vector<2048x1xf32>
    %add3A_264 = arith.addf %dot_general3A_253, %broadcast_in_dim3A_259 : vector<2048x1xf32>
    %convert_element_type3A_265 = arith.fptosi %add3A_264 : vector<2048x1xf32> to vector<2048x1xi32>
    %swap3A_266 = arith.constant 0 : index
    %swap3A_267 = arith.constant 0 : index
    %swap3A_268 = vector.load %arg3[%swap3A_266, %swap3A_267] : memref<2048x1xi32, #tpu.memory_space<vmem>>, vector<2048x1xi32>
    tpu.vector_store %arg3[%swap3A_266, %swap3A_267], %convert_element_type3A_265 {strides = array<i32>} : memref<2048x1xi32, #tpu.memory_space<vmem>>, vector<2048x1xi32>,
    %add3A_269 = arith.addf %dot_general3A_255, %broadcast_in_dim3A_263 : vector<2048x1xf32>
    %convert_element_type3A_270 = arith.fptosi %add3A_269 : vector<2048x1xf32> to vector<2048x1xi32>
    %swap3A_271 = arith.constant 0 : index
    %swap3A_272 = arith.constant 0 : index
    %swap3A_273 = vector.load %arg4[%swap3A_271, %swap3A_272] : memref<2048x1xi32, #tpu.memory_space<vmem>>, vector<2048x1xi32>
    tpu.vector_store %arg4[%swap3A_271, %swap3A_272], %convert_element_type3A_270 {strides = array<i32>} : memref<2048x1xi32, #tpu.memory_space<vmem>>, vector<2048x1xi32>,
    %iota3A_274 = tpu.iota {dimensions = array<i32: 1>} : vector<8x48xi32>
    %convert_element_type3A_275 = arith.sitofp %iota3A_274 : vector<8x48xi32> to vector<8x48xf32>
    %ge3A = vector.broadcast %broadcast_in_dim3A_249 : vector<8x1xf32> to vector<8x48xf32>
    %ge3A_276 = arith.cmpf oge, %convert_element_type3A_275, %ge3A : vector<8x48xf32>
    %convert_element_type3A_277 = arith.extui %ge3A_276 : vector<8x48xi1> to vector<8x48xi32>
    %reduce_sum3A_278 = arith.constant dense<0> : vector<48xi32>
    %reduce_sum3A_279 = vector.multi_reduction <add>, %convert_element_type3A_277, %reduce_sum3A_278 [0] : vector<8x48xi32> to vector<48xi32>
    %broadcast_in_dim3A_280 = vector.shape_cast %reduce_sum3A_279 : vector<48xi32> to vector<1x48xi32>
    %min3A = arith.constant 7 : i32
    %min3A_281 = vector.broadcast %min3A : i32 to vector<1x48xi32>
    %min3A_282 = arith.minsi %broadcast_in_dim3A_280, %min3A_281 : vector<1x48xi32>
    %iota3A_283 = tpu.iota {dimensions = array<i32: 1>} : vector<1x48xi32>
    %reduce_sum3A_284 = arith.constant dense<0.000000e+00> : vector<1xf32>
    %reduce_sum3A_285 = vector.multi_reduction <add>, %floor3A, %reduce_sum3A_284 [1] : vector<1x8xf32> to vector<1xf32>
    %broadcast_in_dim3A_286 = vector.shape_cast %reduce_sum3A_285 : vector<1xf32> to vector<1x1xf32>
    %convert_element_type3A_287 = arith.fptosi %broadcast_in_dim3A_286 : vector<1x1xf32> to vector<1x1xi32>
    %eq3A_288 = arith.constant 40 : i32
    %eq3A_289 = vector.broadcast %eq3A_288 : i32 to vector<1x48xi32>
    %eq3A_290 = arith.cmpi eq, %iota3A_283, %eq3A_289 : vector<1x48xi32>
    %broadcast_in_dim3A_291 = vector.shape_cast %convert_element_type3A_287 : vector<1x1xi32> to vector<1x1xi32>
    %broadcast_in_dim3A_292 = vector.broadcast %broadcast_in_dim3A_291 : vector<1x1xi32> to vector<1x48xi32>
    %select_n3A_293 = arith.select %eq3A_290, %broadcast_in_dim3A_292, %min3A_282 : vector<1x48xi1>, vector<1x48xi32>
    %swap3A_294 = arith.constant 0 : index
    %swap3A_295 = arith.constant 0 : index
    %swap3A_296 = vector.load %arg7[%swap3A_294, %swap3A_295] : memref<1x48xi32, #tpu.memory_space<vmem>>, vector<1x48xi32>
    tpu.vector_store %arg7[%swap3A_294, %swap3A_295], %select_n3A_293 {strides = array<i32>} : memref<1x48xi32, #tpu.memory_space<vmem>>, vector<1x48xi32>,
    return
  }
}

module attributes {stable_mosaic.version = 14 : i64} {
  func.func @_add_body(%arg0: i32, %arg1: memref<128x1024xf32, #tpu.memory_space<vmem>>, %arg2: memref<128x1024xf32, #tpu.memory_space<vmem>>, %arg3: memref<128x1xf32, #tpu.memory_space<vmem>>, %arg4: memref<128x1xf32, #tpu.memory_space<vmem>>, %arg5: memref<128x1024xf32, #tpu.memory_space<vmem>>) attributes {dimension_semantics = [#tpu.dimension_semantics<arbitrary>], iteration_bounds = array<i64: 16>, scalar_prefetch = 0 : i64, scratch_operands = 0 : i64, tpu.core_type = #tpu.core_type<tc>, window_params = [{transform_indices = @transform_0, window_bounds = array<i64: 128, 1024>}, {transform_indices = @transform_1, window_bounds = array<i64: 128, 1024>}, {transform_indices = @transform_2, window_bounds = array<i64: 128, 1>}, {transform_indices = @transform_3, window_bounds = array<i64: 128, 1>}, {transform_indices = @transform_4, window_bounds = array<i64: 128, 1024>}]} {
    %get3A = arith.constant 0 : index
    %get3A_0 = arith.constant 0 : index
    %get3A_1 = vector.load %arg1[%get3A, %get3A_0] : memref<128x1024xf32, #tpu.memory_space<vmem>>, vector<128x1024xf32>
    %get3A_2 = arith.constant 0 : index
    %get3A_3 = arith.constant 0 : index
    %get3A_4 = vector.load %arg3[%get3A_2, %get3A_3] : memref<128x1xf32, #tpu.memory_space<vmem>>, vector<128x1xf32>
    %mul3A = vector.broadcast %get3A_4 : vector<128x1xf32> to vector<128x1024xf32>
    %mul3A_5 = arith.mulf %get3A_1, %mul3A : vector<128x1024xf32>
    %get3A_6 = arith.constant 0 : index
    %get3A_7 = arith.constant 0 : index
    %get3A_8 = vector.load %arg2[%get3A_6, %get3A_7] : memref<128x1024xf32, #tpu.memory_space<vmem>>, vector<128x1024xf32>
    %get3A_9 = arith.constant 0 : index
    %get3A_10 = arith.constant 0 : index
    %get3A_11 = vector.load %arg4[%get3A_9, %get3A_10] : memref<128x1xf32, #tpu.memory_space<vmem>>, vector<128x1xf32>
    %mul3A_12 = vector.broadcast %get3A_11 : vector<128x1xf32> to vector<128x1024xf32>
    %mul3A_13 = arith.mulf %get3A_8, %mul3A_12 : vector<128x1024xf32>
    %add3A = arith.addf %mul3A_5, %mul3A_13 : vector<128x1024xf32>
    %swap3A = arith.constant 0 : index
    %swap3A_14 = arith.constant 0 : index
    %swap3A_15 = vector.load %arg5[%swap3A, %swap3A_14] : memref<128x1024xf32, #tpu.memory_space<vmem>>, vector<128x1024xf32>
    tpu.vector_store %arg5[%swap3A, %swap3A_14], %add3A {strides = array<i32>} : memref<128x1024xf32, #tpu.memory_space<vmem>>, vector<128x1024xf32>,
    return
  }
  func.func @transform_0(%arg0: i32) -> (i32, i32) {
    %c0_i32 = arith.constant 0 : i32
    %c0_i32_0 = arith.constant 0 : i32
    return %arg0, %c0_i32 : i32, i32
  }
  func.func @transform_1(%arg0: i32) -> (i32, i32) {
    %add3A = arith.constant 16 : i32
    %add3A_0 = arith.addi %arg0, %add3A : i32
    %c0_i32 = arith.constant 0 : i32
    %c0_i32_1 = arith.constant 0 : i32
    return %add3A_0, %c0_i32 : i32, i32
  }
  func.func @transform_2(%arg0: i32) -> (i32, i32) {
    %c0_i32 = arith.constant 0 : i32
    %c0_i32_0 = arith.constant 0 : i32
    return %arg0, %c0_i32 : i32, i32
  }
  func.func @transform_3(%arg0: i32) -> (i32, i32) {
    %c0_i32 = arith.constant 0 : i32
    %c0_i32_0 = arith.constant 0 : i32
    return %arg0, %c0_i32 : i32, i32
  }
  func.func @transform_4(%arg0: i32) -> (i32, i32) {
    %c0_i32 = arith.constant 0 : i32
    %c0_i32_0 = arith.constant 0 : i32
    return %arg0, %c0_i32 : i32, i32
  }
}

</mosaic_0001>

<sc_bundles>
// kernel: kernel.10.cloned.1.call-start
scs
__scs_entry_jumppad:
0x0: {  	(pc) =	sbr.rel $0x88, $3  }
0x1: {  	(tag) =	ssettag $0x0;
	lr =	simm.s32 $0x1  }
0x2: {  	[smem:$0x3F9D] =	sst lr;
	_ =	strace $0xD0000000  }
0x3: {  	_ = 	snop  }
0x4: {  	_ = 	snop  }
0x5: {  	_ = 	snop  }
0x6: {  	_ = 	snop  }
0x7: {  	_ = 	snop  }
__scs_overlays_trampoline_lowered:
0x8: {  	[smem:$0x3FAC] =	sst s0  }
0x9: {  	[smem:$0x3FAD] =	sst s1  }
0xa: {  	[smem:$0x3FAE] =	sst s2  }
0xb: {  	[smem:$0x3FAF] =	sst s3  }
0xc: {  	[smem:$0x3FB0] =	sst s4  }
0xd: {  	[smem:$0x3FB1] =	sst s5  }
0xe: {  	[smem:$0x3FB2] =	sst s6  }
0xf: {  	[smem:$0x3FB3] =	sst s7  }
0x10: {  	[smem:$0x3FB4] =	sst s8  }
0x11: {  	[smem:$0x3FB5] =	sst s9;
	s0 =	simm.s32 @!p0 $0x0  }
0x12: {  	s1 =	sld [smem:$0x3F9B];
	s0 =	simm.s32 @p0 $0x1  }
0x13: {  	[smem:$0x3FB6] =	sst s0;
	s0 =	simm.s32 @!p1 $0x0  }
0x14: {  	s2 =	sld [smem:$0x3F9A];
	s0 =	simm.s32 @p1 $0x1  }
0x15: {  	[smem:$0x3FB7] =	sst s0;
	s0 =	simm.s32 @!p2 $0x0  }
0x16: {  	s3 =	sld [smem:$0x3FDB];
	s0 =	simm.s32 @p2 $0x1  }
0x17: {  	s4 =	simm.s32 $0x1BF5;
	[smem:$0x3FB9] =	sst s0  }
0x18: {  	s0 =	sld [smem:$0x3F9C];
	_ =	swait.ge [sflag:s4], $0x0  }
0x19: {  	s7 =	sld [smem:$0x3F9D]  }
0x1a: {  	s8 =	sadd.s32 $0xFFFFE003, lr  }
0x1b: {  	s9 =	sadd.s32 $0xFFFFFEF7, lr;
	s5 =	simm.s32 $0xFFFFFFFF;
	p2 =	slt.u32 s8, $0xFFFFF086  }
0x1c: {  	p1 =	slt.u32 s9, $0xF7A;
	s5 =	simm.s32 @!p2 $0x0  }
0x1d: {  	s5 =	simm.s32 @p1 $0x1;
	p0 =	seq.s32 s7, s2  }
0x1e: {  	s7 =	smul.u32 @!p0 $0xF7A, s2;
	p2 =	seq.s32 @!p0 s5, $0x0  }
0x1f: {  	s9 =	smul.u32 $0xF7A, s1;
	s8 =	simm.s32 @!p0 $0x1BF5;
	p2 =	por !p2, p0  }
0x20: {  	[sflag:s8] =	ssyncset.s32 @!p0 $0xFFFFF086;
	s6 =	sadd.s32 @!p0 s3, s7;
	s7 =	simm.s32 @!p0 $0x108  }
0x21: {  	s3 =	sadd.s32 s3, s9;
	s6 =	sadd.s32 @!p0 $0x88, s6;
	s7 =	simm.s32 @p2 $0x1082  }
0x22: {  	[simem:s7], [sflag:s8] =	dma.local @!p0 [hbm:s6], $0xF7A  }
0x23: {  	s9 =	sor.u32 $0xD0000000, s2;
	s6 =	simm.s32 $0x108;
	_ =	swait.ge @!p0 [sflag:s8], $0x0  }
0x24: {  	s3 =	sadd.s32 $0x88, s3;
	s6 =	simm.s32 @!p1 $0x1082;
	[sflag:s4] =	ssyncset.s32 $0xFFFFF086  }
0x25: {  	[simem:s6], [sflag:s4] =	dma.local [hbm:s3], $0xF7A  }
0x26: {  	[smem:$0x3F9D] =	sst s1;
	(tag) =	ssettag s2;
	_ =	strace s9  }
0x27: {  	s1 =	sld [smem:$0x3FAD]  }
0x28: {  	s2 =	sld [smem:$0x3FAE]  }
0x29: {  	s4 =	sld [smem:$0x3FB0]  }
0x2a: {  	p0 =	seq.s32 s5, $0x0;
	s5 =	sld [smem:$0x3FB1]  }
0x2b: {  	s6 =	sld [smem:$0x3FB2]  }
0x2c: {  	s7 =	sld [smem:$0x3FB3]  }
0x2d: {  	s3 =	simm.s32 $0x108;
	s8 =	sld [smem:$0x3FB4]  }
0x2e: {  	s3 =	simm.s32 @!p0 $0x1082;
	s9 =	sld [smem:$0x3FB5]  }
0x2f: {  	lr =	sadd.s32 s0, s3;
	s0 =	sld [smem:$0x3FAC]  }
0x30: {  	s3 =	sld [smem:$0x3FAF]  }
0x31: {  	[smem:$0x3FB8] =	sst s10  }
0x32: {  	s10 =	sld [smem:$0x3FB6];
	_ =	sdelay $0x3  }
0x33: {  	p0 =	seq.s32 s10, $0x1;
	s10 =	sld [smem:$0x3FB8];
	_ =	sdelay $0x3  }
0x34: {  	[smem:$0x3FB8] =	sst s10  }
0x35: {  	s10 =	sld [smem:$0x3FB7];
	_ =	sdelay $0x3  }
0x36: {  	p1 =	seq.s32 s10, $0x1;
	s10 =	sld [smem:$0x3FB8];
	_ =	sdelay $0x3  }
0x37: {  	[smem:$0x3FB8] =	sst s10  }
0x38: {  	s10 =	sld [smem:$0x3FB9]  }
0x39: {  	_ = 	snop;
	(pc) =	sbr.ind lr, $3  }
0x3a: {  	_ = 	snop  }
0x3b: {  	_ = 	snop  }
0x3c: {  	p2 =	seq.s32 s10, $0x1;
	s10 =	sld [smem:$0x3FB8]  }
0x3d: {  	_ =	shalt  }
0x3e: {  	_ =	shalt  }
0x3f: {  	_ =	shalt  }
0x40: {  	_ =	shalt  }
0x41: {  	_ =	shalt  }
0x42: {  	_ =	shalt  }
0x43: {  	_ =	shalt  }
0x44: {  	_ =	shalt  }
0x45: {  	_ =	shalt  }
0x46: {  	_ =	shalt  }
0x47: {  	_ =	shalt  }
0x48: {  	_ =	shalt  }
0x49: {  	_ =	shalt  }
0x4a: {  	_ =	shalt  }
0x4b: {  	_ =	shalt  }
0x4c: {  	_ =	shalt  }
0x4d: {  	_ =	shalt  }
0x4e: {  	_ =	shalt  }
0x4f: {  	_ =	shalt  }
0x50: {  	_ =	shalt  }
0x51: {  	_ =	shalt  }
0x52: {  	_ =	shalt  }
0x53: {  	_ =	shalt  }
0x54: {  	_ =	shalt  }
0x55: {  	_ =	shalt  }
0x56: {  	_ =	shalt  }
0x57: {  	_ =	shalt  }
0x58: {  	_ =	shalt  }
0x59: {  	_ =	shalt  }
0x5a: {  	_ =	shalt  }
0x5b: {  	_ =	shalt  }
0x5c: {  	_ =	shalt  }
0x5d: {  	_ =	shalt  }
0x5e: {  	_ =	shalt  }
0x5f: {  	_ =	shalt  }
0x60: {  	_ =	shalt  }
0x61: {  	_ =	shalt  }
0x62: {  	_ =	shalt  }
0x63: {  	_ =	shalt  }
0x64: {  	_ =	shalt  }
0x65: {  	_ =	shalt  }
0x66: {  	_ =	shalt  }
0x67: {  	_ =	shalt  }
0x68: {  	_ =	shalt  }
0x69: {  	_ =	shalt  }
0x6a: {  	_ =	shalt  }
0x6b: {  	_ =	shalt  }
0x6c: {  	_ =	shalt  }
0x6d: {  	_ =	shalt  }
0x6e: {  	_ =	shalt  }
0x6f: {  	_ =	shalt  }
0x70: {  	_ =	shalt  }
0x71: {  	_ =	shalt  }
0x72: {  	_ =	shalt  }
0x73: {  	_ =	shalt  }
0x74: {  	_ =	shalt  }
0x75: {  	_ =	shalt  }
0x76: {  	_ =	shalt  }
0x77: {  	_ =	shalt  }
0x78: {  	_ =	shalt  }
0x79: {  	_ =	shalt  }
0x7a: {  	_ =	shalt  }
0x7b: {  	_ =	shalt  }
0x7c: {  	_ =	shalt  }
0x7d: {  	_ =	shalt  }
0x7e: {  	_ =	shalt  }
0x7f: {  	_ =	shalt  }
0x80: {  	_ =	shalt  }
0x81: {  	_ =	shalt  }
0x82: {  	_ =	shalt  }
0x83: {  	_ =	shalt  }
0x84: {  	_ =	shalt  }
0x85: {  	_ =	shalt  }
0x86: {  	_ =	shalt  }
0x87: {  	_ =	shalt  }
.Lfunc_end0:
.L_simem_size_0:
called_computation.1_lowered:
.L_overlay_start_0:
0x88: {  	s2 =	sld [smem:$0x3FD9]  }
0x89: {  	s3 =	sld [smem:$0x3FFE];
	_ =	sdelay $0x1  }
0x8a: {  	s1 =	srdreg.scid  }
0x8b: {  	s0 =	sand.u32 $0x1, s1  }
0x8c: {  	s14 =	sshll.u32 s0, $0xA;
	s2 =	sadd.s32 s3, s2  }
0x8d: {  	s2 =	sadd.s32 s2, s14  }
0x8e: {  	[smem:$0x3FC4] =	sst s2  }
0x8f: {  	_ = 	snop  }
0x90: {  	s2 =	sld [smem:$0x3FD0];
	_ =	sdelay $0x2  }
0x91: {  	s15 =	simm.s32 $0xA;
	s4 =	simm.s32 $0x10  }
0x92: {  	[smem:s4], [sflag:s15] =	dma.local [hbm:s2], $0x1  }
0x93: {  	_ =	swait.eq [sflag:s15], $0x1  }
0x94: {  	[sflag:s15] =	ssyncset.done $0x0  }
0x95: {  	[sflag:s15] =	ssyncadd.s32 $0xFFFFFFFF  }
0x96: {  	s16 =	sld [smem:$0x10];
	(tm) =	ssettm $0x1  }
0x97: {  	s17 =	sld [smem:$0x3FFB];
	_ =	sdelay $0x3  }
0x98: {  	_ =	strace s17  }
0x99: {  	s3 =	sld [smem:$0x3FFC];
	_ =	sdelay $0x3  }
0x9a: {  	_ =	strace s3  }
0x9b: {  	s3 =	sld [smem:$0x3FFD];
	_ =	sdelay $0x3  }
0x9c: {  	_ =	strace s3  }
0x9d: {  	_ =	strace $0x8FFFFFFF  }
0x9e: {  	s18 =	sld [smem:$0x3FDB];
	_ =	sdelay $0x1  }
0x9f: {  	s19 =	simm.s32 $_scs_section_size  }
0xa0: {  	s5 =	simm.s32 $_size__tile_overlayer_lowered;
	s6 =	simm.s32 $_tile_overlayer_lowered  }
0xa1: {  	s22 =	simm.s32 $0x1BFF;
	s21 =	sshll.u32 s6, $0x1;
	s3 =	sadd.s32 s19, s18  }
0xa2: {  	s7 =	simm.s32 $0x0;
	s20 =	sshll.u32 s5, $0x1;
	s5 =	sadd.s32 s21, s3  }
0xa3: {  	[timem:s7], [sflag:s22] =	dma.local [hbm:s5], s20  }
0xa4: {  	_ =	swait.ge [sflag:s22], s20  }
0xa5: {  	s4 =	ssub.s32 $0x0, s20;
	[sflag:s22] =	ssyncset.done $0x0  }
0xa6: {  	[sflag:s22] =	ssyncadd.s32 s4;
	_ =	sdelay $0x1  }
0xa7: {  	s23 =	simm.s32 $0x1B8B  }
0xa8: {  	_ =	swait.ge [sflag:s23], $0x1  }
0xa9: {  	[sflag:s23] =	ssyncset.done $0x0  }
0xaa: {  	s25 =	simm.s32 $0x1B8E;
	s24 =	sld [smem:$0x3FFE];
	[sflag:s23] =	ssyncadd.s32 $0xFFFFFFFF  }
0xab: {  	s26 =	simm.s32 $execute0_lowered;
	[smem:$0x3FD2] =	sst s25  }
0xac: {  	s5 =	sshll.u32 s26, $0x1;
	_ =	strace $0x80000049;
	[dreg:$0x1] =	wrdreg $0xFFFFFFFF  }
0xad: {  	s28 =	simm.s32 $_size_execute0_lowered;
	s3 =	sadd.s32 s3, s5;
	[dreg:$0x0] =	wrdreg $0x0  }
0xae: {  	s5 =	sshll.u32 s28, $0x1;
	[dreg:$0x2] =	wrdreg s3  }
0xaf: {  	[dreg:$0x3] =	wrdreg s5  }
0xb0: {  	[dreg:$0x4] =	wrdreg $0xC0  }
0xb1: {  	_ =	task [dreg:s7], $0x5FFFF  }
0xb2: {  	[dreg:$0x1] =	wrdreg $0xFFFFFFFF  }
0xb3: {  	[dreg:$0x0] =	wrdreg $0x60  }
0xb4: {  	[dreg:$0x2] =	wrdreg s24  }
0xb5: {  	[dreg:$0x3] =	wrdreg s16  }
0xb6: {  	[dreg:$0x4] =	wrdreg $0x9  }
0xb7: {  	_ =	task.clear_ibuf [dreg:s7], $0x5FFFF;
	_ =	strace $0x90000049  }
0xb8: {  	s29 =	simm.s32 $0x9;
	_ =	strace $0x8000004B  }
0xb9: {  	_ =	swait.ge [sflag:s29], $0x1  }
0xba: {  	[sflag:s29] =	ssyncadd.s32 $0xFFFFFFFF  }
0xbb: {  	_ =	strace $0x9000004B  }
0xbc: {  	_ =	sfence  }
0xbd: {  	s30 =	sld [smem:$0x0];
	_ =	sdelay $0x2  }
0xbe: {  	s31 =	sshll.u32 s1, $0xD;
	s1 =	sshrl.u32 s1, $0x2  }
0xbf: {  	s3 =	sand.u32 $0x4000, s31;
	s1 =	sadd.s32 s1, s30  }
0xc0: {  	s0 =	sor.u32 s3, s0;
	s1 =	sshll.u32 s1, $0x11  }
0xc1: {  	s0 =	sor.u32 s1, s0  }
0xc2: {  	s0 =	sadd.s32 $0x8F2B, s0  }
0xc3: {  	[sflag:s0] =	ssyncadd.remote.s32 $0x1  }
0xc4: {  	_ =	sfence.sel $0xFFFF  }
0xc5: {  	[dreg:$0x0] =	wrdreg $0xFFFFFFFF;
	(pc) =	sbr.abs _section_cstart, $3  }
0xc6: {  	[dreg:$0x1] =	wrdreg $0xFFFFFFFF  }
0xc7: {  	_ =	task.clear_ibuf [dreg:s7], $0x2FFFF;
	_ =	strace $0x9FFFFFFF  }
0xc8: {  	(tm) =	ssettm $0x7FFFFFFF  }
0xc9: {  	_ =	shalt  }
tec
execute0_lowered:
.L_overlay_start_1:
0x0: {  	(tag) =	ssettag $0x1  }
0x1: {  	s0 =	rddreg [dreg:$0x0]  }
0x2: {  	s1 =	rddreg [dreg:$0x1];
	s3 =	srdreg.scid  }
0x3: {  	s2 =	simm.s32 $0x0;
	s5 =	stileid.u32;
	s18 =	simm.s32 $0x1  }
0x4: {  	s20 =	simm.s32 $0x880;
	s21 =	simm.s32 $0x1080;
	s28 =	simm.s32 $0x4080  }
0x5: {  	s29 =	simm.s32 $0x4880;
	s30 =	simm.s32 $0x5080;
	s31 =	simm.s32 $0x5880  }
0x6: {  	s10 =	simm.s32 $0x7080;
	s11 =	simm.s32 $0x7880;
	s12 =	simm.s32 $0x8080  }
0x7: {  	s13 =	simm.s32 $0x8880;
	s14 =	simm.s32 $0x9080;
	s15 =	simm.s32 $0x9880  }
0x8: {  	s16 =	simm.s32 $0xA080;
	s17 =	simm.s32 $0xA880;
	s4 =	sand.u32 $0x1, s3  }
0x9: {  	[smem:$0x7FF] =	sst s2;
	s22 =	sshll.u32 s5, $0x7;
	s3 =	sadd.s32 $0xA00, s0  }
0xa: {  	s23 =	sshll.u32 s4, $0x6;
	_ =	strace $0x8000004A;
	s4 =	ssub.s32 $0x2, s4  }
0xb: {  	s5 =	sor.u32 s23, s22;
	s8 =	sshrl.u32 s4, $0x1;
	s22 =	simm.s32 $0x1880  }
0xc: {  	s23 =	simm.s32 $0x2080;
	s6 =	sshrl.u32 s5, $0x3;
	s5 =	sshll.u32 s5, $0x7  }
0xd: {  	s8 =	ssub.s32 s4, s8;
	s4 =	sadd.s32 $0xB00, s0;
	s7 =	sadd.s32 s6, s0  }
0xe: {  	s9 =	sadd.s32 s5, s0;
	s1 =	sadd.s32 s1, s6;
	s5 =	sadd.s32 $0xC00, s0  }
0xf: {  	s6 =	sadd.s32 $0xD00, s0;
	[dreg:$0x3] =	wrdreg s1;
	s24 =	sadd.s32 $0xA0A00, s9  }
0x10: {  	s0 =	simm.s32 $0x80;
	s25 =	sadd.s32 $0x800, s7;
	[dreg:$0x4] =	wrdreg s24  }
0x11: {  	v2 =	vlaneseq.u32;
	s26 =	sadd.s32 $0xE0A00, s9;
	s7 =	smax.u32 s8, $0x1;
	[dreg:$0x5] =	wrdreg s25  }
0x12: {  	vm0 =	vmmov $0xffff;
	v1 =	vshrl.u32 v2, $0x3;
	s8 =	simm.s32 $0x2;
	s9 =	simm.s32 $0xB080;
	[dreg:$0x6] =	wrdreg s26  }
0x13: {  	v0 =	vand.u32 $0x7, v2;
	v2 =	vor.u32 $0x8, v2;
	v1 =	vmul.u32 $0x8, v1;
	s24 =	simm.s32 $0x2880;
	s25 =	simm.s32 $0x3080;
	s26 =	simm.s32 $0x3880  }
.LBB2_1:
0x14: {  	s19 =	rddreg [dreg:$0x3]  }
0x15: {  	[tilespmem:s2], [sflag:$0x2] =	stream.linear.gather [hbm4b:s19+s2], $0x40, $0x38;
	[tilespmem:$0x10080] =	vst v63  }
0x16: {  	_ =	swait.ge [sflag:s8], $0x40  }
0x17: {  	[sflag:s8] =	ssyncset.done $0x0  }
0x18: {  	[sflag:s8] =	ssyncadd.s32 $0xFFFFFFC0  }
0x19: {  	v3 =	vld [tilespmem:$0x0];
	_ =	sdelay $0x4  }
0x1a: {  	v4 =	vshll.u32 v3, $0x3  }
0x1b: {  	v3 =	vand.u32 $0x7, v3;
	v4 =	vand.u32 $0xFFFFFFC0, v4  }
0x1c: {  	v3 =	vor.u32 v3, v4  }
0x1d: {  	v4 =	vperm.xlane v3, v0;
	_ =	sdelay $0x1  }
0x1e: {  	v4 =	vadd.s32 v1, v4;
	_ =	sdelay $0x4  }
0x1f: {  	[tilespmem:s0], [sflag:$0x1] =	stream.indirect_vreg.gather [hbm4b:s3+s2], $0x80, v4, vm0, $0xb8;
	[tilespmem:$0x10080] =	vst v63  }
0x20: {  	v3 =	vperm.xlane v3, v2  }
0x21: {  	[tilespmem:s20], [sflag:$0x1] =	stream.indirect_vreg.gather [hbm4b:s4+s2], $0x80, v4, vm0, $0xb8;
	[tilespmem:$0x10080] =	vst v63  }
0x22: {  	v3 =	vadd.s32 v1, v3  }
0x23: {  	[tilespmem:s21], [sflag:$0x1] =	stream.indirect_vreg.gather [hbm4b:s5+s2], $0x80, v4, vm0, $0xb8;
	[tilespmem:$0x10080] =	vst v63  }
0x24: {  	_ = 	snop  }
0x25: {  	[tilespmem:s22], [sflag:$0x1] =	stream.indirect_vreg.gather [hbm4b:s6+s2], $0x80, v4, vm0, $0xb8;
	[tilespmem:$0x10080] =	vst v63  }
0x26: {  	_ = 	snop  }
0x27: {  	[tilespmem:s23], [sflag:$0x1] =	stream.indirect_vreg.gather [hbm4b:s3+s2], $0x80, v3, vm0, $0xb8;
	[tilespmem:$0x10080] =	vst v63  }
0x28: {  	_ = 	snop  }
0x29: {  	[tilespmem:s24], [sflag:$0x1] =	stream.indirect_vreg.gather [hbm4b:s4+s2], $0x80, v3, vm0, $0xb8;
	[tilespmem:$0x10080] =	vst v63  }
0x2a: {  	_ = 	snop  }
0x2b: {  	[tilespmem:s25], [sflag:$0x1] =	stream.indirect_vreg.gather [hbm4b:s5+s2], $0x80, v3, vm0, $0xb8;
	[tilespmem:$0x10080] =	vst v63  }
0x2c: {  	_ = 	snop  }
0x2d: {  	[tilespmem:s26], [sflag:$0x1] =	stream.indirect_vreg.gather [hbm4b:s6+s2], $0x80, v3, vm0, $0xb8;
	[tilespmem:$0x10080] =	vst v63  }
0x2e: {  	v3 =	vld [tilespmem:$0x10];
	_ =	sdelay $0x4  }
0x2f: {  	v57 =	vshll.u32 v3, $0x3  }
0x30: {  	v3 =	vand.u32 $0x7, v3;
	v4 =	vand.u32 $0xFFFFFFC0, v57  }
0x31: {  	v3 =	vor.u32 v3, v4  }
0x32: {  	v4 =	vperm.xlane v3, v0;
	_ =	sdelay $0x1  }
0x33: {  	v4 =	vadd.s32 v1, v4;
	_ =	sdelay $0x4  }
0x34: {  	[tilespmem:s28], [sflag:$0x1] =	stream.indirect_vreg.gather [hbm4b:s3+s2], $0x80, v4, vm0, $0xb8;
	[tilespmem:$0x10080] =	vst v63  }
0x35: {  	v3 =	vperm.xlane v3, v2  }
0x36: {  	[tilespmem:s29], [sflag:$0x1] =	stream.indirect_vreg.gather [hbm4b:s4+s2], $0x80, v4, vm0, $0xb8;
	[tilespmem:$0x10080] =	vst v63  }
0x37: {  	v3 =	vadd.s32 v1, v3  }
0x38: {  	[tilespmem:s30], [sflag:$0x1] =	stream.indirect_vreg.gather [hbm4b:s5+s2], $0x80, v4, vm0, $0xb8;
	[tilespmem:$0x10080] =	vst v63  }
0x39: {  	_ = 	snop  }
0x3a: {  	[tilespmem:s31], [sflag:$0x1] =	stream.indirect_vreg.gather [hbm4b:s6+s2], $0x80, v4, vm0, $0xb8;
	[tilespmem:$0x10080] =	vst v63  }
0x3b: {  	s1 =	simm.s32 $0x6080  }
0x3c: {  	[tilespmem:s1], [sflag:$0x1] =	stream.indirect_vreg.gather [hbm4b:s3+s2], $0x80, v3, vm0, $0xb8;
	[tilespmem:$0x10080] =	vst v63  }
0x3d: {  	s1 =	simm.s32 $0x6880  }
0x3e: {  	[tilespmem:s1], [sflag:$0x1] =	stream.indirect_vreg.gather [hbm4b:s4+s2], $0x80, v3, vm0, $0xb8;
	[tilespmem:$0x10080] =	vst v63  }
0x3f: {  	_ = 	snop  }
0x40: {  	[tilespmem:s10], [sflag:$0x1] =	stream.indirect_vreg.gather [hbm4b:s5+s2], $0x80, v3, vm0, $0xb8;
	[tilespmem:$0x10080] =	vst v63  }
0x41: {  	_ = 	snop  }
0x42: {  	[tilespmem:s11], [sflag:$0x1] =	stream.indirect_vreg.gather [hbm4b:s6+s2], $0x80, v3, vm0, $0xb8;
	[tilespmem:$0x10080] =	vst v63  }
0x43: {  	v3 =	vld [tilespmem:$0x20];
	_ =	sdelay $0x4  }
0x44: {  	v58 =	vshll.u32 v3, $0x3  }
0x45: {  	v3 =	vand.u32 $0x7, v3;
	v4 =	vand.u32 $0xFFFFFFC0, v58  }
0x46: {  	v3 =	vor.u32 v3, v4  }
0x47: {  	v4 =	vperm.xlane v3, v0;
	_ =	sdelay $0x1  }
0x48: {  	v4 =	vadd.s32 v1, v4;
	_ =	sdelay $0x4  }
0x49: {  	[tilespmem:s12], [sflag:$0x1] =	stream.indirect_vreg.gather [hbm4b:s3+s2], $0x80, v4, vm0, $0xb8;
	[tilespmem:$0x10080] =	vst v63  }
0x4a: {  	v3 =	vperm.xlane v3, v2  }
0x4b: {  	[tilespmem:s13], [sflag:$0x1] =	stream.indirect_vreg.gather [hbm4b:s4+s2], $0x80, v4, vm0, $0xb8;
	[tilespmem:$0x10080] =	vst v63  }
0x4c: {  	v3 =	vadd.s32 v1, v3  }
0x4d: {  	[tilespmem:s14], [sflag:$0x1] =	stream.indirect_vreg.gather [hbm4b:s5+s2], $0x80, v4, vm0, $0xb8;
	[tilespmem:$0x10080] =	vst v63  }
0x4e: {  	_ = 	snop  }
0x4f: {  	[tilespmem:s15], [sflag:$0x1] =	stream.indirect_vreg.gather [hbm4b:s6+s2], $0x80, v4, vm0, $0xb8;
	[tilespmem:$0x10080] =	vst v63  }
0x50: {  	_ = 	snop  }
0x51: {  	[tilespmem:s16], [sflag:$0x1] =	stream.indirect_vreg.gather [hbm4b:s3+s2], $0x80, v3, vm0, $0xb8;
	[tilespmem:$0x10080] =	vst v63  }
0x52: {  	_ = 	snop  }
0x53: {  	[tilespmem:s17], [sflag:$0x1] =	stream.indirect_vreg.gather [hbm4b:s4+s2], $0x80, v3, vm0, $0xb8;
	[tilespmem:$0x10080] =	vst v63  }
0x54: {  	_ = 	snop  }
0x55: {  	[tilespmem:s9], [sflag:$0x1] =	stream.indirect_vreg.gather [hbm4b:s5+s2], $0x80, v3, vm0, $0xb8;
	[tilespmem:$0x10080] =	vst v63  }
0x56: {  	s19 =	simm.s32 $0xB880  }
0x57: {  	[tilespmem:s19], [sflag:$0x1] =	stream.indirect_vreg.gather [hbm4b:s6+s2], $0x80, v3, vm0, $0xb8;
	[tilespmem:$0x10080] =	vst v63  }
0x58: {  	v3 =	vld [tilespmem:$0x30];
	_ =	sdelay $0x4  }
0x59: {  	v59 =	vshll.u32 v3, $0x3  }
0x5a: {  	v3 =	vand.u32 $0x7, v3;
	v4 =	vand.u32 $0xFFFFFFC0, v59  }
0x5b: {  	v3 =	vor.u32 v3, v4  }
0x5c: {  	v4 =	vperm.xlane v3, v0;
	_ =	sdelay $0x1  }
0x5d: {  	v4 =	vadd.s32 v1, v4;
	_ =	sdelay $0x3  }
0x5e: {  	s19 =	simm.s32 $0xC080  }
0x5f: {  	[tilespmem:s19], [sflag:$0x1] =	stream.indirect_vreg.gather [hbm4b:s3+s2], $0x80, v4, vm0, $0xb8;
	[tilespmem:$0x10080] =	vst v63  }
0x60: {  	v3 =	vperm.xlane v3, v2;
	s19 =	simm.s32 $0xC880  }
0x61: {  	[tilespmem:s19], [sflag:$0x1] =	stream.indirect_vreg.gather [hbm4b:s4+s2], $0x80, v4, vm0, $0xb8;
	[tilespmem:$0x10080] =	vst v63  }
0x62: {  	v3 =	vadd.s32 v1, v3;
	s19 =	simm.s32 $0xD080  }
0x63: {  	[tilespmem:s19], [sflag:$0x1] =	stream.indirect_vreg.gather [hbm4b:s5+s2], $0x80, v4, vm0, $0xb8;
	[tilespmem:$0x10080] =	vst v63  }
0x64: {  	s19 =	simm.s32 $0xD880  }
0x65: {  	[tilespmem:s19], [sflag:$0x1] =	stream.indirect_vreg.gather [hbm4b:s6+s2], $0x80, v4, vm0, $0xb8;
	[tilespmem:$0x10080] =	vst v63  }
0x66: {  	s19 =	simm.s32 $0xE080  }
0x67: {  	[tilespmem:s19], [sflag:$0x1] =	stream.indirect_vreg.gather [hbm4b:s3+s2], $0x80, v3, vm0, $0xb8;
	[tilespmem:$0x10080] =	vst v63  }
0x68: {  	s19 =	simm.s32 $0xE880  }
0x69: {  	[tilespmem:s19], [sflag:$0x1] =	stream.indirect_vreg.gather [hbm4b:s4+s2], $0x80, v3, vm0, $0xb8;
	[tilespmem:$0x10080] =	vst v63  }
0x6a: {  	s19 =	simm.s32 $0xF080  }
0x6b: {  	[tilespmem:s19], [sflag:$0x1] =	stream.indirect_vreg.gather [hbm4b:s5+s2], $0x80, v3, vm0, $0xb8;
	[tilespmem:$0x10080] =	vst v63  }
0x6c: {  	s19 =	simm.s32 $0xF880  }
0x6d: {  	[tilespmem:s19], [sflag:$0x1] =	stream.indirect_vreg.gather [hbm4b:s6+s2], $0x80, v3, vm0, $0xb8;
	[tilespmem:$0x10080] =	vst v63  }
0x6e: {  	_ =	swait.ge [sflag:s18], $0x10000  }
0x6f: {  	[sflag:s18] =	ssyncset.done $0x0  }
0x70: {  	s19 =	rddreg [dreg:$0x4];
	[sflag:s18] =	ssyncadd.s32 $0xFFFF0000  }
0x71: {  	[hbm4b:s19+s2] =	stream.linear.scatter [tilespmem:s0], [sflag:$0x2], $0x10000, $0x38;
	[tilespmem:$0x10080] =	vst v63  }
0x72: {  	_ =	swait.ge [sflag:s8], $0x10000  }
0x73: {  	[sflag:s8] =	ssyncset.done $0x0  }
0x74: {  	s19 =	rddreg [dreg:$0x5];
	[sflag:s8] =	ssyncadd.s32 $0xFFFF0000  }
0x75: {  	[tilespmem:s2], [sflag:$0x2] =	stream.linear.gather [hbm4b:s19+s2], $0x40, $0x38;
	[tilespmem:$0x10080] =	vst v63  }
0x76: {  	_ =	swait.ge [sflag:s8], $0x40  }
0x77: {  	[sflag:s8] =	ssyncset.done $0x0  }
0x78: {  	[sflag:s8] =	ssyncadd.s32 $0xFFFFFFC0  }
0x79: {  	v3 =	vld [tilespmem:$0x0];
	_ =	sdelay $0x4  }
0x7a: {  	v60 =	vshll.u32 v3, $0x3  }
0x7b: {  	v3 =	vand.u32 $0x7, v3;
	v4 =	vand.u32 $0xFFFFFFC0, v60  }
0x7c: {  	v3 =	vor.u32 v3, v4  }
0x7d: {  	v4 =	vperm.xlane v3, v0;
	_ =	sdelay $0x1  }
0x7e: {  	v4 =	vadd.s32 v1, v4;
	_ =	sdelay $0x4  }
0x7f: {  	[tilespmem:s0], [sflag:$0x1] =	stream.indirect_vreg.gather [hbm4b:s3+s2], $0x80, v4, vm0, $0xb8;
	[tilespmem:$0x10080] =	vst v63  }
0x80: {  	v3 =	vperm.xlane v3, v2  }
0x81: {  	[tilespmem:s20], [sflag:$0x1] =	stream.indirect_vreg.gather [hbm4b:s4+s2], $0x80, v4, vm0, $0xb8;
	[tilespmem:$0x10080] =	vst v63  }
0x82: {  	v3 =	vadd.s32 v1, v3  }
0x83: {  	[tilespmem:s21], [sflag:$0x1] =	stream.indirect_vreg.gather [hbm4b:s5+s2], $0x80, v4, vm0, $0xb8;
	[tilespmem:$0x10080] =	vst v63  }
0x84: {  	_ = 	snop  }
0x85: {  	[tilespmem:s22], [sflag:$0x1] =	stream.indirect_vreg.gather [hbm4b:s6+s2], $0x80, v4, vm0, $0xb8;
	[tilespmem:$0x10080] =	vst v63  }
0x86: {  	_ = 	snop  }
0x87: {  	[tilespmem:s23], [sflag:$0x1] =	stream.indirect_vreg.gather [hbm4b:s3+s2], $0x80, v3, vm0, $0xb8;
	[tilespmem:$0x10080] =	vst v63  }
0x88: {  	_ = 	snop  }
0x89: {  	[tilespmem:s24], [sflag:$0x1] =	stream.indirect_vreg.gather [hbm4b:s4+s2], $0x80, v3, vm0, $0xb8;
	[tilespmem:$0x10080] =	vst v63  }
0x8a: {  	_ = 	snop  }
0x8b: {  	[tilespmem:s25], [sflag:$0x1] =	stream.indirect_vreg.gather [hbm4b:s5+s2], $0x80, v3, vm0, $0xb8;
	[tilespmem:$0x10080] =	vst v63  }
0x8c: {  	_ = 	snop  }
0x8d: {  	[tilespmem:s26], [sflag:$0x1] =	stream.indirect_vreg.gather [hbm4b:s6+s2], $0x80, v3, vm0, $0xb8;
	[tilespmem:$0x10080] =	vst v63  }
0x8e: {  	v3 =	vld [tilespmem:$0x10];
	_ =	sdelay $0x4  }
0x8f: {  	v61 =	vshll.u32 v3, $0x3  }
0x90: {  	v3 =	vand.u32 $0x7, v3;
	v4 =	vand.u32 $0xFFFFFFC0, v61  }
0x91: {  	v3 =	vor.u32 v3, v4  }
0x92: {  	v4 =	vperm.xlane v3, v0;
	_ =	sdelay $0x1  }
0x93: {  	v4 =	vadd.s32 v1, v4;
	_ =	sdelay $0x4  }
0x94: {  	[tilespmem:s28], [sflag:$0x1] =	stream.indirect_vreg.gather [hbm4b:s3+s2], $0x80, v4, vm0, $0xb8;
	[tilespmem:$0x10080] =	vst v63  }
0x95: {  	v3 =	vperm.xlane v3, v2  }
0x96: {  	[tilespmem:s29], [sflag:$0x1] =	stream.indirect_vreg.gather [hbm4b:s4+s2], $0x80, v4, vm0, $0xb8;
	[tilespmem:$0x10080] =	vst v63  }
0x97: {  	v3 =	vadd.s32 v1, v3  }
0x98: {  	[tilespmem:s30], [sflag:$0x1] =	stream.indirect_vreg.gather [hbm4b:s5+s2], $0x80, v4, vm0, $0xb8;
	[tilespmem:$0x10080] =	vst v63  }
0x99: {  	_ = 	snop  }
0x9a: {  	[tilespmem:s31], [sflag:$0x1] =	stream.indirect_vreg.gather [hbm4b:s6+s2], $0x80, v4, vm0, $0xb8;
	[tilespmem:$0x10080] =	vst v63  }
0x9b: {  	s19 =	simm.s32 $0x6080  }
0x9c: {  	[tilespmem:s19], [sflag:$0x1] =	stream.indirect_vreg.gather [hbm4b:s3+s2], $0x80, v3, vm0, $0xb8;
	[tilespmem:$0x10080] =	vst v63  }
0x9d: {  	_ = 	snop  }
0x9e: {  	[tilespmem:s1], [sflag:$0x1] =	stream.indirect_vreg.gather [hbm4b:s4+s2], $0x80, v3, vm0, $0xb8;
	[tilespmem:$0x10080] =	vst v63  }
0x9f: {  	_ = 	snop  }
0xa0: {  	[tilespmem:s10], [sflag:$0x1] =	stream.indirect_vreg.gather [hbm4b:s5+s2], $0x80, v3, vm0, $0xb8;
	[tilespmem:$0x10080] =	vst v63  }
0xa1: {  	_ = 	snop  }
0xa2: {  	[tilespmem:s11], [sflag:$0x1] =	stream.indirect_vreg.gather [hbm4b:s6+s2], $0x80, v3, vm0, $0xb8;
	[tilespmem:$0x10080] =	vst v63  }
0xa3: {  	v3 =	vld [tilespmem:$0x20];
	_ =	sdelay $0x4  }
0xa4: {  	v62 =	vshll.u32 v3, $0x3  }
0xa5: {  	v3 =	vand.u32 $0x7, v3;
	v4 =	vand.u32 $0xFFFFFFC0, v62  }
0xa6: {  	v3 =	vor.u32 v3, v4  }
0xa7: {  	v4 =	vperm.xlane v3, v0;
	_ =	sdelay $0x1  }
0xa8: {  	v4 =	vadd.s32 v1, v4;
	_ =	sdelay $0x4  }
0xa9: {  	[tilespmem:s12], [sflag:$0x1] =	stream.indirect_vreg.gather [hbm4b:s3+s2], $0x80, v4, vm0, $0xb8;
	[tilespmem:$0x10080] =	vst v63  }
0xaa: {  	v3 =	vperm.xlane v3, v2  }
0xab: {  	[tilespmem:s13], [sflag:$0x1] =	stream.indirect_vreg.gather [hbm4b:s4+s2], $0x80, v4, vm0, $0xb8;
	[tilespmem:$0x10080] =	vst v63  }
0xac: {  	v3 =	vadd.s32 v1, v3  }
0xad: {  	[tilespmem:s14], [sflag:$0x1] =	stream.indirect_vreg.gather [hbm4b:s5+s2], $0x80, v4, vm0, $0xb8;
	[tilespmem:$0x10080] =	vst v63  }
0xae: {  	_ = 	snop  }
0xaf: {  	[tilespmem:s15], [sflag:$0x1] =	stream.indirect_vreg.gather [hbm4b:s6+s2], $0x80, v4, vm0, $0xb8;
	[tilespmem:$0x10080] =	vst v63  }
0xb0: {  	_ = 	snop  }
0xb1: {  	[tilespmem:s16], [sflag:$0x1] =	stream.indirect_vreg.gather [hbm4b:s3+s2], $0x80, v3, vm0, $0xb8;
	[tilespmem:$0x10080] =	vst v63  }
0xb2: {  	_ = 	snop  }
0xb3: {  	[tilespmem:s17], [sflag:$0x1] =	stream.indirect_vreg.gather [hbm4b:s4+s2], $0x80, v3, vm0, $0xb8;
	[tilespmem:$0x10080] =	vst v63  }
0xb4: {  	_ = 	snop  }
0xb5: {  	[tilespmem:s9], [sflag:$0x1] =	stream.indirect_vreg.gather [hbm4b:s5+s2], $0x80, v3, vm0, $0xb8;
	[tilespmem:$0x10080] =	vst v63  }
0xb6: {  	s19 =	simm.s32 $0xB880  }
0xb7: {  	[tilespmem:s19], [sflag:$0x1] =	stream.indirect_vreg.gather [hbm4b:s6+s2], $0x80, v3, vm0, $0xb8;
	[tilespmem:$0x10080] =	vst v63  }
0xb8: {  	v3 =	vld [tilespmem:$0x30];
	_ =	sdelay $0x4  }
0xb9: {  	v63 =	vshll.u32 v3, $0x3  }
0xba: {  	v3 =	vand.u32 $0x7, v3;
	v4 =	vand.u32 $0xFFFFFFC0, v63  }
0xbb: {  	v3 =	vor.u32 v3, v4  }
0xbc: {  	v4 =	vperm.xlane v3, v0;
	_ =	sdelay $0x1  }
0xbd: {  	v4 =	vadd.s32 v1, v4;
	_ =	sdelay $0x3  }
0xbe: {  	s19 =	simm.s32 $0xC080  }
0xbf: {  	[tilespmem:s19], [sflag:$0x1] =	stream.indirect_vreg.gather [hbm4b:s3+s2], $0x80, v4, vm0, $0xb8;
	[tilespmem:$0x10080] =	vst v63  }
0xc0: {  	v3 =	vperm.xlane v3, v2;
	s19 =	simm.s32 $0xC880  }
0xc1: {  	[tilespmem:s19], [sflag:$0x1] =	stream.indirect_vreg.gather [hbm4b:s4+s2], $0x80, v4, vm0, $0xb8;
	[tilespmem:$0x10080] =	vst v63  }
0xc2: {  	v3 =	vadd.s32 v1, v3;
	s19 =	simm.s32 $0xD080  }
0xc3: {  	[tilespmem:s19], [sflag:$0x1] =	stream.indirect_vreg.gather [hbm4b:s5+s2], $0x80, v4, vm0, $0xb8;
	[tilespmem:$0x10080] =	vst v63  }
0xc4: {  	s19 =	simm.s32 $0xD880  }
0xc5: {  	[tilespmem:s19], [sflag:$0x1] =	stream.indirect_vreg.gather [hbm4b:s6+s2], $0x80, v4, vm0, $0xb8;
	[tilespmem:$0x10080] =	vst v63  }
0xc6: {  	s19 =	simm.s32 $0xE080  }
0xc7: {  	[tilespmem:s19], [sflag:$0x1] =	stream.indirect_vreg.gather [hbm4b:s3+s2], $0x80, v3, vm0, $0xb8;
	[tilespmem:$0x10080] =	vst v63  }
0xc8: {  	s19 =	simm.s32 $0xE880  }
0xc9: {  	[tilespmem:s19], [sflag:$0x1] =	stream.indirect_vreg.gather [hbm4b:s4+s2], $0x80, v3, vm0, $0xb8;
	[tilespmem:$0x10080] =	vst v63  }
0xca: {  	s19 =	simm.s32 $0xF080  }
0xcb: {  	[tilespmem:s19], [sflag:$0x1] =	stream.indirect_vreg.gather [hbm4b:s5+s2], $0x80, v3, vm0, $0xb8;
	[tilespmem:$0x10080] =	vst v63  }
0xcc: {  	s19 =	simm.s32 $0xF880  }
0xcd: {  	[tilespmem:s19], [sflag:$0x1] =	stream.indirect_vreg.gather [hbm4b:s6+s2], $0x80, v3, vm0, $0xb8;
	[tilespmem:$0x10080] =	vst v63  }
0xce: {  	_ =	swait.ge [sflag:s18], $0x10000  }
0xcf: {  	p0 =	sne.s32 s7, $0x1;
	[sflag:s18] =	ssyncset.done $0x0  }
.Ltmp0:
0xd0: {  	s1 =	rddreg [dreg:$0x6];
	[sflag:s18] =	ssyncadd.s32 $0xFFFF0000;
	(pc) =	sbr.rel @p0 .LBB2_1-.Ltmp0, $4  }
0xd1: {  	[hbm4b:s1+s2] =	stream.linear.scatter [tilespmem:s0], [sflag:$0x2], $0x10000, $0x38;
	[tilespmem:$0x10080] =	vst v63  }
0xd2: {  	_ =	swait.ge [sflag:s8], $0x10000  }
0xd3: {  	[sflag:s8] =	ssyncset.done $0x0  }
0xd4: {  	s7 =	sadd.s32 $0xFFFFFFFF, s7;
	[sflag:s8] =	ssyncadd.s32 $0xFFFF0000  }
0xd5: {  	_ =	sfence.sel $0x180000  }
0xd6: {  	[bflag:$0x0] =	sbarrier.arrive $0xFFFF  }
0xd7: {  	_ =	strace $0x9000004A  }
0xd8: {  	s0 =	stileid.u32;
	[bflag:$0x2] =	sbarrier.arrive $0xFFFF  }
0xd9: {  	p0 =	sne.s32 s0, $0x0;
	s0 =	rddreg [dreg:$0x2]  }
0xda: {  	s0 =	sadd.s32 @!p0 $0x100000, s0  }
0xdb: {  	[sflag:s0] =	ssyncadd.tile.s32 @!p0 $0x1;
	_ =	shalt  }
.Lfunc_end2:
_tile_overlayer_lowered:
.L_overlay_start_2:
0xdc: {  	(tag) =	ssettag $0x2  }
0xdd: {  	s0 =	rddreg [dreg:$0x0];
	s2 =	stileid.u32  }
0xde: {  	s1 =	rddreg [dreg:$0x1];
	p0 =	sne.s32 s2, $0x0  }
0xdf: {  	s3 =	rddreg [dreg:$0x2];
	[bflag:$0x3] =	sbarrier.arrive $0xFFFF;
	s2 =	simm.s32 @!p0 $0x1C02  }
0xe0: {  	[timem:s3], [sflag:s2] =	dma.local @!p0 [hbm:s0], s1  }
0xe1: {  	s0 =	simm.s32 @!p0 $0x2  }
0xe2: {  	_ =	swait.ge @!p0 [sflag:s0], s1  }
0xe3: {  	s1 =	ssub.s32 @!p0 $0x0, s1;
	[sflag:s0] =	ssyncset.done @!p0 $0x0  }
0xe4: {  	[sflag:s0] =	ssyncadd.s32 @!p0 s1  }
0xe5: {  	[bflag:$0x3] =	sbarrier.arrive $0xFFFF  }
0xe6: {  	_ =	shalt  }

// kernel: kernel.7.cloned.1.call-start
scs
__scs_entry_jumppad:
0x0: {  	(pc) =	sbr.rel $0x88, $3  }
0x1: {  	(tag) =	ssettag $0x0;
	lr =	simm.s32 $0x1  }
0x2: {  	[smem:$0x3F9D] =	sst lr;
	_ =	strace $0xD0000000  }
0x3: {  	_ = 	snop  }
0x4: {  	_ = 	snop  }
0x5: {  	_ = 	snop  }
0x6: {  	_ = 	snop  }
0x7: {  	_ = 	snop  }
__scs_overlays_trampoline_lowered:
0x8: {  	[smem:$0x3FAC] =	sst s0  }
0x9: {  	[smem:$0x3FAD] =	sst s1  }
0xa: {  	[smem:$0x3FAE] =	sst s2  }
0xb: {  	[smem:$0x3FAF] =	sst s3  }
0xc: {  	[smem:$0x3FB0] =	sst s4  }
0xd: {  	[smem:$0x3FB1] =	sst s5  }
0xe: {  	[smem:$0x3FB2] =	sst s6  }
0xf: {  	[smem:$0x3FB3] =	sst s7  }
0x10: {  	[smem:$0x3FB4] =	sst s8  }
0x11: {  	[smem:$0x3FB5] =	sst s9;
	s0 =	simm.s32 @!p0 $0x0  }
0x12: {  	s1 =	sld [smem:$0x3F9B];
	s0 =	simm.s32 @p0 $0x1  }
0x13: {  	[smem:$0x3FB6] =	sst s0;
	s0 =	simm.s32 @!p1 $0x0  }
0x14: {  	s2 =	sld [smem:$0x3F9A];
	s0 =	simm.s32 @p1 $0x1  }
0x15: {  	[smem:$0x3FB7] =	sst s0;
	s0 =	simm.s32 @!p2 $0x0  }
0x16: {  	s3 =	sld [smem:$0x3FDB];
	s0 =	simm.s32 @p2 $0x1  }
0x17: {  	s4 =	simm.s32 $0x1BF5;
	[smem:$0x3FB9] =	sst s0  }
0x18: {  	s0 =	sld [smem:$0x3F9C];
	_ =	swait.ge [sflag:s4], $0x0  }
0x19: {  	s7 =	sld [smem:$0x3F9D]  }
0x1a: {  	s8 =	sadd.s32 $0xFFFFE003, lr  }
0x1b: {  	s9 =	sadd.s32 $0xFFFFFEF7, lr;
	s5 =	simm.s32 $0xFFFFFFFF;
	p2 =	slt.u32 s8, $0xFFFFF086  }
0x1c: {  	p1 =	slt.u32 s9, $0xF7A;
	s5 =	simm.s32 @!p2 $0x0  }
0x1d: {  	s5 =	simm.s32 @p1 $0x1;
	p0 =	seq.s32 s7, s2  }
0x1e: {  	s7 =	smul.u32 @!p0 $0xF7A, s2;
	p2 =	seq.s32 @!p0 s5, $0x0  }
0x1f: {  	s9 =	smul.u32 $0xF7A, s1;
	s8 =	simm.s32 @!p0 $0x1BF5;
	p2 =	por !p2, p0  }
0x20: {  	[sflag:s8] =	ssyncset.s32 @!p0 $0xFFFFF086;
	s6 =	sadd.s32 @!p0 s3, s7;
	s7 =	simm.s32 @!p0 $0x108  }
0x21: {  	s3 =	sadd.s32 s3, s9;
	s6 =	sadd.s32 @!p0 $0x88, s6;
	s7 =	simm.s32 @p2 $0x1082  }
0x22: {  	[simem:s7], [sflag:s8] =	dma.local @!p0 [hbm:s6], $0xF7A  }
0x23: {  	s9 =	sor.u32 $0xD0000000, s2;
	s6 =	simm.s32 $0x108;
	_ =	swait.ge @!p0 [sflag:s8], $0x0  }
0x24: {  	s3 =	sadd.s32 $0x88, s3;
	s6 =	simm.s32 @!p1 $0x1082;
	[sflag:s4] =	ssyncset.s32 $0xFFFFF086  }
0x25: {  	[simem:s6], [sflag:s4] =	dma.local [hbm:s3], $0xF7A  }
0x26: {  	[smem:$0x3F9D] =	sst s1;
	(tag) =	ssettag s2;
	_ =	strace s9  }
0x27: {  	s1 =	sld [smem:$0x3FAD]  }
0x28: {  	s2 =	sld [smem:$0x3FAE]  }
0x29: {  	s4 =	sld [smem:$0x3FB0]  }
0x2a: {  	p0 =	seq.s32 s5, $0x0;
	s5 =	sld [smem:$0x3FB1]  }
0x2b: {  	s6 =	sld [smem:$0x3FB2]  }
0x2c: {  	s7 =	sld [smem:$0x3FB3]  }
0x2d: {  	s3 =	simm.s32 $0x108;
	s8 =	sld [smem:$0x3FB4]  }
0x2e: {  	s3 =	simm.s32 @!p0 $0x1082;
	s9 =	sld [smem:$0x3FB5]  }
0x2f: {  	lr =	sadd.s32 s0, s3;
	s0 =	sld [smem:$0x3FAC]  }
0x30: {  	s3 =	sld [smem:$0x3FAF]  }
0x31: {  	[smem:$0x3FB8] =	sst s10  }
0x32: {  	s10 =	sld [smem:$0x3FB6];
	_ =	sdelay $0x3  }
0x33: {  	p0 =	seq.s32 s10, $0x1;
	s10 =	sld [smem:$0x3FB8];
	_ =	sdelay $0x3  }
0x34: {  	[smem:$0x3FB8] =	sst s10  }
0x35: {  	s10 =	sld [smem:$0x3FB7];
	_ =	sdelay $0x3  }
0x36: {  	p1 =	seq.s32 s10, $0x1;
	s10 =	sld [smem:$0x3FB8];
	_ =	sdelay $0x3  }
0x37: {  	[smem:$0x3FB8] =	sst s10  }
0x38: {  	s10 =	sld [smem:$0x3FB9]  }
0x39: {  	_ = 	snop;
	(pc) =	sbr.ind lr, $3  }
0x3a: {  	_ = 	snop  }
0x3b: {  	_ = 	snop  }
0x3c: {  	p2 =	seq.s32 s10, $0x1;
	s10 =	sld [smem:$0x3FB8]  }
0x3d: {  	_ =	shalt  }
0x3e: {  	_ =	shalt  }
0x3f: {  	_ =	shalt  }
0x40: {  	_ =	shalt  }
0x41: {  	_ =	shalt  }
0x42: {  	_ =	shalt  }
0x43: {  	_ =	shalt  }
0x44: {  	_ =	shalt  }
0x45: {  	_ =	shalt  }
0x46: {  	_ =	shalt  }
0x47: {  	_ =	shalt  }
0x48: {  	_ =	shalt  }
0x49: {  	_ =	shalt  }
0x4a: {  	_ =	shalt  }
0x4b: {  	_ =	shalt  }
0x4c: {  	_ =	shalt  }
0x4d: {  	_ =	shalt  }
0x4e: {  	_ =	shalt  }
0x4f: {  	_ =	shalt  }
0x50: {  	_ =	shalt  }
0x51: {  	_ =	shalt  }
0x52: {  	_ =	shalt  }
0x53: {  	_ =	shalt  }
0x54: {  	_ =	shalt  }
0x55: {  	_ =	shalt  }
0x56: {  	_ =	shalt  }
0x57: {  	_ =	shalt  }
0x58: {  	_ =	shalt  }
0x59: {  	_ =	shalt  }
0x5a: {  	_ =	shalt  }
0x5b: {  	_ =	shalt  }
0x5c: {  	_ =	shalt  }
0x5d: {  	_ =	shalt  }
0x5e: {  	_ =	shalt  }
0x5f: {  	_ =	shalt  }
0x60: {  	_ =	shalt  }
0x61: {  	_ =	shalt  }
0x62: {  	_ =	shalt  }
0x63: {  	_ =	shalt  }
0x64: {  	_ =	shalt  }
0x65: {  	_ =	shalt  }
0x66: {  	_ =	shalt  }
0x67: {  	_ =	shalt  }
0x68: {  	_ =	shalt  }
0x69: {  	_ =	shalt  }
0x6a: {  	_ =	shalt  }
0x6b: {  	_ =	shalt  }
0x6c: {  	_ =	shalt  }
0x6d: {  	_ =	shalt  }
0x6e: {  	_ =	shalt  }
0x6f: {  	_ =	shalt  }
0x70: {  	_ =	shalt  }
0x71: {  	_ =	shalt  }
0x72: {  	_ =	shalt  }
0x73: {  	_ =	shalt  }
0x74: {  	_ =	shalt  }
0x75: {  	_ =	shalt  }
0x76: {  	_ =	shalt  }
0x77: {  	_ =	shalt  }
0x78: {  	_ =	shalt  }
0x79: {  	_ =	shalt  }
0x7a: {  	_ =	shalt  }
0x7b: {  	_ =	shalt  }
0x7c: {  	_ =	shalt  }
0x7d: {  	_ =	shalt  }
0x7e: {  	_ =	shalt  }
0x7f: {  	_ =	shalt  }
0x80: {  	_ =	shalt  }
0x81: {  	_ =	shalt  }
0x82: {  	_ =	shalt  }
0x83: {  	_ =	shalt  }
0x84: {  	_ =	shalt  }
0x85: {  	_ =	shalt  }
0x86: {  	_ =	shalt  }
0x87: {  	_ =	shalt  }
.Lfunc_end0:
.L_simem_size_0:
called_computation_lowered:
.L_overlay_start_0:
0x88: {  	s2 =	sld [smem:$0x3FD9]  }
0x89: {  	s3 =	sld [smem:$0x3FFE];
	_ =	sdelay $0x1  }
0x8a: {  	s1 =	srdreg.scid  }
0x8b: {  	s0 =	sand.u32 $0x1, s1  }
0x8c: {  	s14 =	sshll.u32 s0, $0xA;
	s2 =	sadd.s32 s3, s2  }
0x8d: {  	s2 =	sadd.s32 s2, s14  }
0x8e: {  	[smem:$0x3FC4] =	sst s2  }
0x8f: {  	_ = 	snop  }
0x90: {  	s2 =	sld [smem:$0x3FD0];
	_ =	sdelay $0x2  }
0x91: {  	s4 =	simm.s32 $0xA;
	s5 =	simm.s32 $0x10;
	s15 =	sld [smem:$0x3FC9]  }
0x92: {  	[smem:s5], [sflag:s4] =	dma.local [hbm:s2], $0x1  }
0x93: {  	_ =	swait.eq [sflag:s4], $0x1  }
0x94: {  	[sflag:s4] =	ssyncset.done $0x0  }
0x95: {  	[sflag:s4] =	ssyncadd.s32 $0xFFFFFFFF  }
0x96: {  	s16 =	sld [smem:$0x10];
	(tm) =	ssettm $0x1  }
0x97: {  	s17 =	sld [smem:$0x3FFB];
	_ =	sdelay $0x3  }
0x98: {  	_ =	strace s17  }
0x99: {  	s4 =	sld [smem:$0x3FFC];
	_ =	sdelay $0x3  }
0x9a: {  	_ =	strace s4  }
0x9b: {  	s4 =	sld [smem:$0x3FFD];
	_ =	sdelay $0x3  }
0x9c: {  	_ =	strace s4  }
0x9d: {  	_ =	strace $0x8FFFFFFF  }
0x9e: {  	s18 =	sld [smem:$0x3FDB];
	_ =	sdelay $0x1  }
0x9f: {  	s19 =	simm.s32 $_scs_section_size  }
0xa0: {  	s6 =	simm.s32 $_size__tile_overlayer_lowered;
	s7 =	simm.s32 $_tile_overlayer_lowered  }
0xa1: {  	s22 =	simm.s32 $0x1BFF;
	s21 =	sshll.u32 s7, $0x1;
	s4 =	sadd.s32 s19, s18  }
0xa2: {  	s8 =	simm.s32 $0x0;
	s20 =	sshll.u32 s6, $0x1;
	s6 =	sadd.s32 s21, s4  }
0xa3: {  	[timem:s8], [sflag:s22] =	dma.local [hbm:s6], s20  }
0xa4: {  	_ =	swait.ge [sflag:s22], s20  }
0xa5: {  	s5 =	ssub.s32 $0x0, s20;
	[sflag:s22] =	ssyncset.done $0x0  }
0xa6: {  	[sflag:s22] =	ssyncadd.s32 s5;
	_ =	sdelay $0x1  }
0xa7: {  	s23 =	simm.s32 $0x1B8B  }
0xa8: {  	_ =	swait.ge [sflag:s23], $0x1  }
0xa9: {  	[sflag:s23] =	ssyncset.done $0x0  }
0xaa: {  	s25 =	simm.s32 $0x1B8E;
	s24 =	sld [smem:$0x3FFE];
	[sflag:s23] =	ssyncadd.s32 $0xFFFFFFFF  }
0xab: {  	s26 =	simm.s32 $execute0_lowered;
	[smem:$0x3FD2] =	sst s25  }
0xac: {  	s6 =	sshll.u32 s26, $0x1;
	_ =	strace $0x80000046;
	[dreg:$0x1] =	wrdreg $0xFFFFFFFF  }
0xad: {  	s28 =	simm.s32 $_size_execute0_lowered;
	s4 =	sadd.s32 s4, s6;
	[dreg:$0x0] =	wrdreg $0x0  }
0xae: {  	s6 =	sshll.u32 s28, $0x1;
	[dreg:$0x2] =	wrdreg s4  }
0xaf: {  	[dreg:$0x3] =	wrdreg s6  }
0xb0: {  	[dreg:$0x4] =	wrdreg $0xC0  }
0xb1: {  	_ =	task [dreg:s8], $0x5FFFF  }
0xb2: {  	[dreg:$0x1] =	wrdreg $0xFFFFFFFF  }
0xb3: {  	[dreg:$0x0] =	wrdreg $0x60  }
0xb4: {  	[dreg:$0x2] =	wrdreg s15  }
0xb5: {  	[dreg:$0x3] =	wrdreg s16  }
0xb6: {  	[dreg:$0x4] =	wrdreg s24  }
0xb7: {  	[dreg:$0x5] =	wrdreg $0x9  }
0xb8: {  	_ =	task.clear_ibuf [dreg:s8], $0x6FFFF;
	_ =	strace $0x90000046  }
0xb9: {  	s29 =	simm.s32 $0x9;
	_ =	strace $0x80000048  }
0xba: {  	_ =	swait.ge [sflag:s29], $0x1  }
0xbb: {  	[sflag:s29] =	ssyncadd.s32 $0xFFFFFFFF  }
0xbc: {  	_ =	strace $0x90000048  }
0xbd: {  	_ =	sfence  }
0xbe: {  	s30 =	sld [smem:$0x0];
	_ =	sdelay $0x2  }
0xbf: {  	s31 =	sshll.u32 s1, $0xD;
	s1 =	sshrl.u32 s1, $0x2  }
0xc0: {  	s3 =	sand.u32 $0x4000, s31;
	s1 =	sadd.s32 s1, s30  }
0xc1: {  	s0 =	sor.u32 s3, s0;
	s1 =	sshll.u32 s1, $0x11  }
0xc2: {  	s0 =	sor.u32 s1, s0  }
0xc3: {  	s0 =	sadd.s32 $0x8F2B, s0  }
0xc4: {  	[sflag:s0] =	ssyncadd.remote.s32 $0x1  }
0xc5: {  	_ =	sfence.sel $0xFFFF  }
0xc6: {  	[dreg:$0x0] =	wrdreg $0xFFFFFFFF;
	(pc) =	sbr.abs _section_cstart, $3  }
0xc7: {  	[dreg:$0x1] =	wrdreg $0xFFFFFFFF  }
0xc8: {  	_ =	task.clear_ibuf [dreg:s8], $0x2FFFF;
	_ =	strace $0x9FFFFFFF  }
0xc9: {  	(tm) =	ssettm $0x7FFFFFFF  }
tec
execute0_lowered:
.L_overlay_start_1:
0x0: {  	(tag) =	ssettag $0x1  }
0x1: {  	s0 =	rddreg [dreg:$0x0];
	s1 =	srdreg.scid  }
0x2: {  	s4 =	rddreg [dreg:$0x1];
	s2 =	stileid.u32  }
0x3: {  	s6 =	rddreg [dreg:$0x2];
	s26 =	simm.s32 $0x80;
	s18 =	simm.s32 $0x100  }
0x4: {  	s21 =	simm.s32 $0x1900;
	s22 =	simm.s32 $0x2100;
	s23 =	simm.s32 $0x2900  }
0x5: {  	s28 =	simm.s32 $0x4900;
	s29 =	simm.s32 $0x5100;
	s30 =	simm.s32 $0x5900  }
0x6: {  	s31 =	simm.s32 $0x6100;
	s10 =	simm.s32 $0x7900;
	s11 =	simm.s32 $0x8100  }
0x7: {  	s12 =	simm.s32 $0x8900;
	s13 =	simm.s32 $0x9100;
	s14 =	simm.s32 $0x9900  }
0x8: {  	s15 =	simm.s32 $0xA100;
	s16 =	simm.s32 $0xA900;
	s17 =	simm.s32 $0xB100  }
0x9: {  	s1 =	sand.u32 $0x1, s1;
	s3 =	sshll.u32 s2, $0x7;
	s2 =	simm.s32 $0x0  }
0xa: {  	s9 =	simm.s32 $0xB900;
	s5 =	sshll.u32 s1, $0x6;
	[smem:$0x7FF] =	sst s2  }
0xb: {  	s1 =	ssub.s32 $0x2, s1;
	s5 =	sor.u32 s5, s3;
	_ =	strace $0x80000047  }
0xc: {  	s3 =	sadd.s32 $0xA00, s6;
	s25 =	sshrl.u32 s1, $0x1;
	[dreg:$0x7] =	wrdreg s26  }
0xd: {  	s26 =	simm.s32 $0x4100;
	s7 =	sshrl.u32 s5, $0x3;
	s5 =	sshll.u32 s5, $0x7  }
0xe: {  	s1 =	ssub.s32 s1, s25;
	s25 =	simm.s32 $0x3900;
	s8 =	sadd.s32 s7, s6  }
0xf: {  	s4 =	sadd.s32 s4, s7;
	s0 =	sadd.s32 s0, s5;
	s5 =	sadd.s32 $0xC00, s6  }
0x10: {  	v2 =	vlaneseq.u32;
	s7 =	smax.u32 s1, $0x1;
	[dreg:$0x4] =	wrdreg s4;
	s24 =	sadd.s32 $0x800, s8  }
0x11: {  	vm0 =	vmmov $0xffff;
	v1 =	vshrl.u32 v2, $0x3;
	[dreg:$0x6] =	wrdreg s0;
	s4 =	sadd.s32 $0xB00, s6;
	s6 =	sadd.s32 $0xD00, s6  }
0x12: {  	v0 =	vand.u32 $0x7, v2;
	v2 =	vor.u32 $0x8, v2;
	v1 =	vmul.u32 $0x8, v1;
	s8 =	simm.s32 $0x2;
	[dreg:$0x5] =	wrdreg s24;
	s24 =	simm.s32 $0x3100  }
.LBB2_1:
0x13: {  	s19 =	rddreg [dreg:$0x4]  }
0x14: {  	[tilespmem:s2], [sflag:$0x2] =	stream.linear.gather [hbm4b:s19+s2], $0x40, $0x38;
	[tilespmem:$0x10100] =	vst v63  }
0x15: {  	_ =	swait.ge [sflag:s8], $0x40  }
0x16: {  	s0 =	rddreg [dreg:$0x5];
	[sflag:s8] =	ssyncset.done $0x0  }
0x17: {  	s20 =	rddreg [dreg:$0x7];
	[sflag:s8] =	ssyncadd.s32 $0xFFFFFFC0  }
0x18: {  	[tilespmem:s20], [sflag:$0x2] =	stream.linear.gather [hbm4b:s0+s2], $0x40, $0x38;
	[tilespmem:$0x10100] =	vst v63  }
0x19: {  	_ =	swait.ge [sflag:s8], $0x40  }
0x1a: {  	[sflag:s8] =	ssyncset.done $0x0  }
0x1b: {  	s1 =	rddreg [dreg:$0x6];
	[sflag:s8] =	ssyncadd.s32 $0xFFFFFFC0  }
0x1c: {  	[tilespmem:s18], [sflag:$0x2] =	stream.linear.gather [hbm4b:s1+s2], $0x10000, $0x38;
	[tilespmem:$0x10100] =	vst v63  }
0x1d: {  	_ =	swait.ge [sflag:s8], $0x10000  }
0x1e: {  	[sflag:s8] =	ssyncset.done $0x0  }
0x1f: {  	[sflag:s8] =	ssyncadd.s32 $0xFFFF0000  }
0x20: {  	v3 =	vld [tilespmem:$0x0];
	_ =	sdelay $0x4  }
0x21: {  	v4 =	vshll.u32 v3, $0x3  }
0x22: {  	v3 =	vand.u32 $0x7, v3;
	v4 =	vand.u32 $0xFFFFFFC0, v4  }
0x23: {  	v3 =	vor.u32 v3, v4  }
0x24: {  	v4 =	vperm.xlane v3, v0;
	_ =	sdelay $0x1  }
0x25: {  	v4 =	vadd.s32 v1, v4;
	_ =	sdelay $0x4  }
0x26: {  	[hbm4b:s3+s2] =	stream.indirect_vreg.scatter [tilespmem:s18], [sflag:$0x1], $0x80, v4, vm0, $0xb8;
	[tilespmem:$0x10100] =	vst v63  }
0x27: {  	s19 =	simm.s32 $0x900;
	v3 =	vperm.xlane v3, v2  }
0x28: {  	[hbm4b:s4+s2] =	stream.indirect_vreg.scatter [tilespmem:s19], [sflag:$0x1], $0x80, v4, vm0, $0xb8;
	[tilespmem:$0x10100] =	vst v63  }
0x29: {  	s20 =	simm.s32 $0x1100;
	v3 =	vadd.s32 v1, v3  }
0x2a: {  	[hbm4b:s5+s2] =	stream.indirect_vreg.scatter [tilespmem:s20], [sflag:$0x1], $0x80, v4, vm0, $0xb8;
	[tilespmem:$0x10100] =	vst v63  }
0x2b: {  	_ = 	snop  }
0x2c: {  	[hbm4b:s6+s2] =	stream.indirect_vreg.scatter [tilespmem:s21], [sflag:$0x1], $0x80, v4, vm0, $0xb8;
	[tilespmem:$0x10100] =	vst v63  }
0x2d: {  	_ = 	snop  }
0x2e: {  	[hbm4b:s3+s2] =	stream.indirect_vreg.scatter [tilespmem:s22], [sflag:$0x1], $0x80, v3, vm0, $0xb8;
	[tilespmem:$0x10100] =	vst v63  }
0x2f: {  	_ = 	snop  }
0x30: {  	[hbm4b:s4+s2] =	stream.indirect_vreg.scatter [tilespmem:s23], [sflag:$0x1], $0x80, v3, vm0, $0xb8;
	[tilespmem:$0x10100] =	vst v63  }
0x31: {  	_ = 	snop  }
0x32: {  	[hbm4b:s5+s2] =	stream.indirect_vreg.scatter [tilespmem:s24], [sflag:$0x1], $0x80, v3, vm0, $0xb8;
	[tilespmem:$0x10100] =	vst v63  }
0x33: {  	_ = 	snop  }
0x34: {  	[hbm4b:s6+s2] =	stream.indirect_vreg.scatter [tilespmem:s25], [sflag:$0x1], $0x80, v3, vm0, $0xb8;
	[tilespmem:$0x10100] =	vst v63  }
0x35: {  	v3 =	vld [tilespmem:$0x10];
	_ =	sdelay $0x4  }
0x36: {  	v57 =	vshll.u32 v3, $0x3  }
0x37: {  	v3 =	vand.u32 $0x7, v3;
	v4 =	vand.u32 $0xFFFFFFC0, v57  }
0x38: {  	v3 =	vor.u32 v3, v4  }
0x39: {  	v4 =	vperm.xlane v3, v0;
	_ =	sdelay $0x1  }
0x3a: {  	v4 =	vadd.s32 v1, v4;
	_ =	sdelay $0x4  }
0x3b: {  	[hbm4b:s3+s2] =	stream.indirect_vreg.scatter [tilespmem:s26], [sflag:$0x1], $0x80, v4, vm0, $0xb8;
	[tilespmem:$0x10100] =	vst v63  }
0x3c: {  	v3 =	vperm.xlane v3, v2  }
0x3d: {  	[hbm4b:s4+s2] =	stream.indirect_vreg.scatter [tilespmem:s28], [sflag:$0x1], $0x80, v4, vm0, $0xb8;
	[tilespmem:$0x10100] =	vst v63  }
0x3e: {  	v3 =	vadd.s32 v1, v3  }
0x3f: {  	[hbm4b:s5+s2] =	stream.indirect_vreg.scatter [tilespmem:s29], [sflag:$0x1], $0x80, v4, vm0, $0xb8;
	[tilespmem:$0x10100] =	vst v63  }
0x40: {  	_ = 	snop  }
0x41: {  	[hbm4b:s6+s2] =	stream.indirect_vreg.scatter [tilespmem:s30], [sflag:$0x1], $0x80, v4, vm0, $0xb8;
	[tilespmem:$0x10100] =	vst v63  }
0x42: {  	_ = 	snop  }
0x43: {  	[hbm4b:s3+s2] =	stream.indirect_vreg.scatter [tilespmem:s31], [sflag:$0x1], $0x80, v3, vm0, $0xb8;
	[tilespmem:$0x10100] =	vst v63  }
0x44: {  	s1 =	simm.s32 $0x6900  }
0x45: {  	[hbm4b:s4+s2] =	stream.indirect_vreg.scatter [tilespmem:s1], [sflag:$0x1], $0x80, v3, vm0, $0xb8;
	[tilespmem:$0x10100] =	vst v63  }
0x46: {  	s0 =	simm.s32 $0x7100  }
0x47: {  	[hbm4b:s5+s2] =	stream.indirect_vreg.scatter [tilespmem:s0], [sflag:$0x1], $0x80, v3, vm0, $0xb8;
	[tilespmem:$0x10100] =	vst v63  }
0x48: {  	_ = 	snop  }
0x49: {  	[hbm4b:s6+s2] =	stream.indirect_vreg.scatter [tilespmem:s10], [sflag:$0x1], $0x80, v3, vm0, $0xb8;
	[tilespmem:$0x10100] =	vst v63  }
0x4a: {  	v3 =	vld [tilespmem:$0x20];
	_ =	sdelay $0x4  }
0x4b: {  	v58 =	vshll.u32 v3, $0x3  }
0x4c: {  	v3 =	vand.u32 $0x7, v3;
	v4 =	vand.u32 $0xFFFFFFC0, v58  }
0x4d: {  	v3 =	vor.u32 v3, v4  }
0x4e: {  	v4 =	vperm.xlane v3, v0;
	_ =	sdelay $0x1  }
0x4f: {  	v4 =	vadd.s32 v1, v4;
	_ =	sdelay $0x4  }
0x50: {  	[hbm4b:s3+s2] =	stream.indirect_vreg.scatter [tilespmem:s11], [sflag:$0x1], $0x80, v4, vm0, $0xb8;
	[tilespmem:$0x10100] =	vst v63  }
0x51: {  	v3 =	vperm.xlane v3, v2  }
0x52: {  	[hbm4b:s4+s2] =	stream.indirect_vreg.scatter [tilespmem:s12], [sflag:$0x1], $0x80, v4, vm0, $0xb8;
	[tilespmem:$0x10100] =	vst v63  }
0x53: {  	v3 =	vadd.s32 v1, v3  }
0x54: {  	[hbm4b:s5+s2] =	stream.indirect_vreg.scatter [tilespmem:s13], [sflag:$0x1], $0x80, v4, vm0, $0xb8;
	[tilespmem:$0x10100] =	vst v63  }
0x55: {  	_ = 	snop  }
0x56: {  	[hbm4b:s6+s2] =	stream.indirect_vreg.scatter [tilespmem:s14], [sflag:$0x1], $0x80, v4, vm0, $0xb8;
	[tilespmem:$0x10100] =	vst v63  }
0x57: {  	_ = 	snop  }
0x58: {  	[hbm4b:s3+s2] =	stream.indirect_vreg.scatter [tilespmem:s15], [sflag:$0x1], $0x80, v3, vm0, $0xb8;
	[tilespmem:$0x10100] =	vst v63  }
0x59: {  	_ = 	snop  }
0x5a: {  	[hbm4b:s4+s2] =	stream.indirect_vreg.scatter [tilespmem:s16], [sflag:$0x1], $0x80, v3, vm0, $0xb8;
	[tilespmem:$0x10100] =	vst v63  }
0x5b: {  	_ = 	snop  }
0x5c: {  	[hbm4b:s5+s2] =	stream.indirect_vreg.scatter [tilespmem:s17], [sflag:$0x1], $0x80, v3, vm0, $0xb8;
	[tilespmem:$0x10100] =	vst v63  }
0x5d: {  	_ = 	snop  }
0x5e: {  	[hbm4b:s6+s2] =	stream.indirect_vreg.scatter [tilespmem:s9], [sflag:$0x1], $0x80, v3, vm0, $0xb8;
	[tilespmem:$0x10100] =	vst v63  }
0x5f: {  	v3 =	vld [tilespmem:$0x30];
	_ =	sdelay $0x4  }
0x60: {  	v59 =	vshll.u32 v3, $0x3  }
0x61: {  	v3 =	vand.u32 $0x7, v3;
	v4 =	vand.u32 $0xFFFFFFC0, v59  }
0x62: {  	v3 =	vor.u32 v3, v4  }
0x63: {  	v4 =	vperm.xlane v3, v0;
	_ =	sdelay $0x1  }
0x64: {  	v4 =	vadd.s32 v1, v4;
	_ =	sdelay $0x3  }
0x65: {  	s0 =	simm.s32 $0xC100  }
0x66: {  	[hbm4b:s3+s2] =	stream.indirect_vreg.scatter [tilespmem:s0], [sflag:$0x1], $0x80, v4, vm0, $0xb8;
	[tilespmem:$0x10100] =	vst v63  }
0x67: {  	v3 =	vperm.xlane v3, v2;
	s0 =	simm.s32 $0xC900  }
0x68: {  	[hbm4b:s4+s2] =	stream.indirect_vreg.scatter [tilespmem:s0], [sflag:$0x1], $0x80, v4, vm0, $0xb8;
	[tilespmem:$0x10100] =	vst v63  }
0x69: {  	v3 =	vadd.s32 v1, v3;
	s0 =	simm.s32 $0xD100  }
0x6a: {  	[hbm4b:s5+s2] =	stream.indirect_vreg.scatter [tilespmem:s0], [sflag:$0x1], $0x80, v4, vm0, $0xb8;
	[tilespmem:$0x10100] =	vst v63  }
0x6b: {  	s0 =	simm.s32 $0xD900  }
0x6c: {  	[hbm4b:s6+s2] =	stream.indirect_vreg.scatter [tilespmem:s0], [sflag:$0x1], $0x80, v4, vm0, $0xb8;
	[tilespmem:$0x10100] =	vst v63  }
0x6d: {  	s0 =	simm.s32 $0xE100  }
0x6e: {  	[hbm4b:s3+s2] =	stream.indirect_vreg.scatter [tilespmem:s0], [sflag:$0x1], $0x80, v3, vm0, $0xb8;
	[tilespmem:$0x10100] =	vst v63  }
0x6f: {  	s0 =	simm.s32 $0xE900  }
0x70: {  	[hbm4b:s4+s2] =	stream.indirect_vreg.scatter [tilespmem:s0], [sflag:$0x1], $0x80, v3, vm0, $0xb8;
	[tilespmem:$0x10100] =	vst v63  }
0x71: {  	s0 =	simm.s32 $0xF100  }
0x72: {  	[hbm4b:s5+s2] =	stream.indirect_vreg.scatter [tilespmem:s0], [sflag:$0x1], $0x80, v3, vm0, $0xb8;
	[tilespmem:$0x10100] =	vst v63  }
0x73: {  	s0 =	simm.s32 $0xF900  }
0x74: {  	[hbm4b:s6+s2] =	stream.indirect_vreg.scatter [tilespmem:s0], [sflag:$0x1], $0x80, v3, vm0, $0xb8;
	[tilespmem:$0x10100] =	vst v63  }
0x75: {  	v3 =	vld [tilespmem:$0x80];
	_ =	sdelay $0x4  }
0x76: {  	v60 =	vshll.u32 v3, $0x3  }
0x77: {  	v3 =	vand.u32 $0x7, v3;
	v4 =	vand.u32 $0xFFFFFFC0, v60  }
0x78: {  	v3 =	vor.u32 v3, v4  }
0x79: {  	v4 =	vperm.xlane v3, v0;
	_ =	sdelay $0x1  }
0x7a: {  	v4 =	vadd.s32 v1, v4;
	_ =	sdelay $0x4  }
0x7b: {  	[hbm4b:s3+s2] =	stream.indirect_vreg.scatter [tilespmem:s18], [sflag:$0x1], $0x80, v4, vm0, $0xb8;
	[tilespmem:$0x10100] =	vst v63  }
0x7c: {  	v3 =	vperm.xlane v3, v2  }
0x7d: {  	[hbm4b:s4+s2] =	stream.indirect_vreg.scatter [tilespmem:s19], [sflag:$0x1], $0x80, v4, vm0, $0xb8;
	[tilespmem:$0x10100] =	vst v63  }
0x7e: {  	v3 =	vadd.s32 v1, v3  }
0x7f: {  	[hbm4b:s5+s2] =	stream.indirect_vreg.scatter [tilespmem:s20], [sflag:$0x1], $0x80, v4, vm0, $0xb8;
	[tilespmem:$0x10100] =	vst v63  }
0x80: {  	_ = 	snop  }
0x81: {  	[hbm4b:s6+s2] =	stream.indirect_vreg.scatter [tilespmem:s21], [sflag:$0x1], $0x80, v4, vm0, $0xb8;
	[tilespmem:$0x10100] =	vst v63  }
0x82: {  	_ = 	snop  }
0x83: {  	[hbm4b:s3+s2] =	stream.indirect_vreg.scatter [tilespmem:s22], [sflag:$0x1], $0x80, v3, vm0, $0xb8;
	[tilespmem:$0x10100] =	vst v63  }
0x84: {  	_ = 	snop  }
0x85: {  	[hbm4b:s4+s2] =	stream.indirect_vreg.scatter [tilespmem:s23], [sflag:$0x1], $0x80, v3, vm0, $0xb8;
	[tilespmem:$0x10100] =	vst v63  }
0x86: {  	_ = 	snop  }
0x87: {  	[hbm4b:s5+s2] =	stream.indirect_vreg.scatter [tilespmem:s24], [sflag:$0x1], $0x80, v3, vm0, $0xb8;
	[tilespmem:$0x10100] =	vst v63  }
0x88: {  	_ = 	snop  }
0x89: {  	[hbm4b:s6+s2] =	stream.indirect_vreg.scatter [tilespmem:s25], [sflag:$0x1], $0x80, v3, vm0, $0xb8;
	[tilespmem:$0x10100] =	vst v63  }
0x8a: {  	v3 =	vld [tilespmem:$0x90];
	_ =	sdelay $0x4  }
0x8b: {  	v61 =	vshll.u32 v3, $0x3  }
0x8c: {  	v3 =	vand.u32 $0x7, v3;
	v4 =	vand.u32 $0xFFFFFFC0, v61  }
0x8d: {  	v3 =	vor.u32 v3, v4  }
0x8e: {  	v4 =	vperm.xlane v3, v0;
	_ =	sdelay $0x1  }
0x8f: {  	v4 =	vadd.s32 v1, v4;
	_ =	sdelay $0x4  }
0x90: {  	[hbm4b:s3+s2] =	stream.indirect_vreg.scatter [tilespmem:s26], [sflag:$0x1], $0x80, v4, vm0, $0xb8;
	[tilespmem:$0x10100] =	vst v63  }
0x91: {  	v3 =	vperm.xlane v3, v2  }
0x92: {  	[hbm4b:s4+s2] =	stream.indirect_vreg.scatter [tilespmem:s28], [sflag:$0x1], $0x80, v4, vm0, $0xb8;
	[tilespmem:$0x10100] =	vst v63  }
0x93: {  	v3 =	vadd.s32 v1, v3  }
0x94: {  	[hbm4b:s5+s2] =	stream.indirect_vreg.scatter [tilespmem:s29], [sflag:$0x1], $0x80, v4, vm0, $0xb8;
	[tilespmem:$0x10100] =	vst v63  }
0x95: {  	_ = 	snop  }
0x96: {  	[hbm4b:s6+s2] =	stream.indirect_vreg.scatter [tilespmem:s30], [sflag:$0x1], $0x80, v4, vm0, $0xb8;
	[tilespmem:$0x10100] =	vst v63  }
0x97: {  	_ = 	snop  }
0x98: {  	[hbm4b:s3+s2] =	stream.indirect_vreg.scatter [tilespmem:s31], [sflag:$0x1], $0x80, v3, vm0, $0xb8;
	[tilespmem:$0x10100] =	vst v63  }
0x99: {  	_ = 	snop  }
0x9a: {  	[hbm4b:s4+s2] =	stream.indirect_vreg.scatter [tilespmem:s1], [sflag:$0x1], $0x80, v3, vm0, $0xb8;
	[tilespmem:$0x10100] =	vst v63  }
0x9b: {  	s20 =	simm.s32 $0x7100  }
0x9c: {  	[hbm4b:s5+s2] =	stream.indirect_vreg.scatter [tilespmem:s20], [sflag:$0x1], $0x80, v3, vm0, $0xb8;
	[tilespmem:$0x10100] =	vst v63  }
0x9d: {  	_ = 	snop  }
0x9e: {  	[hbm4b:s6+s2] =	stream.indirect_vreg.scatter [tilespmem:s10], [sflag:$0x1], $0x80, v3, vm0, $0xb8;
	[tilespmem:$0x10100] =	vst v63  }
0x9f: {  	v3 =	vld [tilespmem:$0xA0];
	_ =	sdelay $0x4  }
0xa0: {  	v62 =	vshll.u32 v3, $0x3  }
0xa1: {  	v3 =	vand.u32 $0x7, v3;
	v4 =	vand.u32 $0xFFFFFFC0, v62  }
0xa2: {  	v3 =	vor.u32 v3, v4  }
0xa3: {  	v4 =	vperm.xlane v3, v0;
	_ =	sdelay $0x1  }
0xa4: {  	v4 =	vadd.s32 v1, v4;
	_ =	sdelay $0x4  }
0xa5: {  	[hbm4b:s3+s2] =	stream.indirect_vreg.scatter [tilespmem:s11], [sflag:$0x1], $0x80, v4, vm0, $0xb8;
	[tilespmem:$0x10100] =	vst v63  }
0xa6: {  	v3 =	vperm.xlane v3, v2  }
0xa7: {  	[hbm4b:s4+s2] =	stream.indirect_vreg.scatter [tilespmem:s12], [sflag:$0x1], $0x80, v4, vm0, $0xb8;
	[tilespmem:$0x10100] =	vst v63  }
0xa8: {  	v3 =	vadd.s32 v1, v3  }
0xa9: {  	[hbm4b:s5+s2] =	stream.indirect_vreg.scatter [tilespmem:s13], [sflag:$0x1], $0x80, v4, vm0, $0xb8;
	[tilespmem:$0x10100] =	vst v63  }
0xaa: {  	_ = 	snop  }
0xab: {  	[hbm4b:s6+s2] =	stream.indirect_vreg.scatter [tilespmem:s14], [sflag:$0x1], $0x80, v4, vm0, $0xb8;
	[tilespmem:$0x10100] =	vst v63  }
0xac: {  	_ = 	snop  }
0xad: {  	[hbm4b:s3+s2] =	stream.indirect_vreg.scatter [tilespmem:s15], [sflag:$0x1], $0x80, v3, vm0, $0xb8;
	[tilespmem:$0x10100] =	vst v63  }
0xae: {  	_ = 	snop  }
0xaf: {  	[hbm4b:s4+s2] =	stream.indirect_vreg.scatter [tilespmem:s16], [sflag:$0x1], $0x80, v3, vm0, $0xb8;
	[tilespmem:$0x10100] =	vst v63  }
0xb0: {  	_ = 	snop  }
0xb1: {  	[hbm4b:s5+s2] =	stream.indirect_vreg.scatter [tilespmem:s17], [sflag:$0x1], $0x80, v3, vm0, $0xb8;
	[tilespmem:$0x10100] =	vst v63  }
0xb2: {  	_ = 	snop  }
0xb3: {  	[hbm4b:s6+s2] =	stream.indirect_vreg.scatter [tilespmem:s9], [sflag:$0x1], $0x80, v3, vm0, $0xb8;
	[tilespmem:$0x10100] =	vst v63  }
0xb4: {  	v3 =	vld [tilespmem:$0xB0];
	_ =	sdelay $0x4  }
0xb5: {  	v63 =	vshll.u32 v3, $0x3  }
0xb6: {  	v3 =	vand.u32 $0x7, v3;
	v4 =	vand.u32 $0xFFFFFFC0, v63  }
0xb7: {  	v3 =	vor.u32 v3, v4  }
0xb8: {  	v4 =	vperm.xlane v3, v0;
	_ =	sdelay $0x1  }
0xb9: {  	v4 =	vadd.s32 v1, v4;
	_ =	sdelay $0x3  }
0xba: {  	s19 =	simm.s32 $0xC100  }
0xbb: {  	[hbm4b:s3+s2] =	stream.indirect_vreg.scatter [tilespmem:s19], [sflag:$0x1], $0x80, v4, vm0, $0xb8;
	[tilespmem:$0x10100] =	vst v63  }
0xbc: {  	s20 =	simm.s32 $0xC900;
	v3 =	vperm.xlane v3, v2  }
0xbd: {  	[hbm4b:s4+s2] =	stream.indirect_vreg.scatter [tilespmem:s20], [sflag:$0x1], $0x80, v4, vm0, $0xb8;
	[tilespmem:$0x10100] =	vst v63  }
0xbe: {  	v3 =	vadd.s32 v1, v3;
	s19 =	simm.s32 $0xD100  }
0xbf: {  	[hbm4b:s5+s2] =	stream.indirect_vreg.scatter [tilespmem:s19], [sflag:$0x1], $0x80, v4, vm0, $0xb8;
	[tilespmem:$0x10100] =	vst v63  }
0xc0: {  	s20 =	simm.s32 $0xD900  }
0xc1: {  	[hbm4b:s6+s2] =	stream.indirect_vreg.scatter [tilespmem:s20], [sflag:$0x1], $0x80, v4, vm0, $0xb8;
	[tilespmem:$0x10100] =	vst v63  }
0xc2: {  	s19 =	simm.s32 $0xE100  }
0xc3: {  	[hbm4b:s3+s2] =	stream.indirect_vreg.scatter [tilespmem:s19], [sflag:$0x1], $0x80, v3, vm0, $0xb8;
	[tilespmem:$0x10100] =	vst v63  }
0xc4: {  	s20 =	simm.s32 $0xE900  }
0xc5: {  	[hbm4b:s4+s2] =	stream.indirect_vreg.scatter [tilespmem:s20], [sflag:$0x1], $0x80, v3, vm0, $0xb8;
	[tilespmem:$0x10100] =	vst v63  }
0xc6: {  	s19 =	simm.s32 $0xF100  }
0xc7: {  	[hbm4b:s5+s2] =	stream.indirect_vreg.scatter [tilespmem:s19], [sflag:$0x1], $0x80, v3, vm0, $0xb8;
	[tilespmem:$0x10100] =	vst v63  }
0xc8: {  	s20 =	simm.s32 $0x1  }
0xc9: {  	[hbm4b:s6+s2] =	stream.indirect_vreg.scatter [tilespmem:s0], [sflag:$0x1], $0x80, v3, vm0, $0xb8;
	[tilespmem:$0x10100] =	vst v63  }
0xca: {  	p0 =	sne.s32 s7, $0x1;
	_ =	swait.ge [sflag:s20], $0x10000  }
.Ltmp0:
0xcb: {  	[sflag:s20] =	ssyncset.done $0x0;
	(pc) =	sbr.rel @p0 .LBB2_1-.Ltmp0, $4  }
0xcc: {  	[sflag:s20] =	ssyncadd.s32 $0xFFFF0000  }
0xcd: {  	_ =	swait.ge [sflag:s20], $0x10000  }
0xce: {  	[sflag:s20] =	ssyncset.done $0x0  }
0xcf: {  	s7 =	sadd.s32 $0xFFFFFFFF, s7;
	[sflag:s20] =	ssyncadd.s32 $0xFFFF0000  }
0xd0: {  	_ =	sfence.sel $0x180000  }
0xd1: {  	[bflag:$0x0] =	sbarrier.arrive $0xFFFF  }
0xd2: {  	_ =	strace $0x90000047  }
0xd3: {  	s0 =	stileid.u32;
	[bflag:$0x2] =	sbarrier.arrive $0xFFFF  }
0xd4: {  	p0 =	sne.s32 s0, $0x0;
	s0 =	rddreg [dreg:$0x3]  }
0xd5: {  	s0 =	sadd.s32 @!p0 $0x100000, s0  }
0xd6: {  	[sflag:s0] =	ssyncadd.tile.s32 @!p0 $0x1;
	_ =	shalt  }
.Lfunc_end2:
_tile_overlayer_lowered:
.L_overlay_start_2:
0xd7: {  	(tag) =	ssettag $0x2  }
0xd8: {  	s0 =	rddreg [dreg:$0x0];
	s2 =	stileid.u32  }
0xd9: {  	s1 =	rddreg [dreg:$0x1];
	p0 =	sne.s32 s2, $0x0  }
0xda: {  	s3 =	rddreg [dreg:$0x2];
	[bflag:$0x3] =	sbarrier.arrive $0xFFFF;
	s2 =	simm.s32 @!p0 $0x1C02  }
0xdb: {  	[timem:s3], [sflag:s2] =	dma.local @!p0 [hbm:s0], s1  }
0xdc: {  	s0 =	simm.s32 @!p0 $0x2  }
0xdd: {  	_ =	swait.ge @!p0 [sflag:s0], s1  }
0xde: {  	s1 =	ssub.s32 @!p0 $0x0, s1;
	[sflag:s0] =	ssyncset.done @!p0 $0x0  }
0xdf: {  	[sflag:s0] =	ssyncadd.s32 @!p0 s1  }
0xe0: {  	[bflag:$0x3] =	sbarrier.arrive $0xFFFF  }
0xe1: {  	_ =	shalt  }

</sc_bundles>
